<compile_context>
chip_gen: v7x
topology: tpu7x:2x2x1
jax: 0.10.2.dev20260603
libtpu: 0.0.44.dev20260713+nightly
codegen_flags: <defaults>
</compile_context>

<pallas_src>
import jax
import jax.numpy as jnp
from jax import lax
from jax.experimental import pallas as pl
from jax.experimental.pallas import tpu as pltpu
from jax.experimental.pallas import tpu_sc as plsc

_DIM = 64
_BASE = 10000.0

_NC = 2
_NS = 16
_NW = _NC * _NS

_B = 4096
_L = 200
_BG = _B // _NW
_NPAIR = _L // 2

_V = 1000000
_NT = (_V + 127) // 128
_VPAD = _NT * 128
_T2ROWS = _VPAD // 2
_NT_LO = _NT // _NW
_NT_EXTRA = _NT - _NT_LO * _NW


def _make_pe():
    pos = jnp.arange(_L, dtype=jnp.float32)[:, None]
    div = jnp.exp(
        jnp.arange(0, _DIM, 2, dtype=jnp.float32) * (-jnp.log(_BASE) / _DIM)
    )
    pe = jnp.zeros((_L, _DIM), dtype=jnp.float32)
    pe = pe.at[:, 0::2].set(jnp.sin(pos * div))
    pe = pe.at[:, 1::2].set(jnp.cos(pos * div))
    return pe


def _relayout_body(tabt_hbm, tail2_hbm, t2_hbm, sbufa, sbufb, obufa, obufb,
                   gsema, gsemb, osema, osemb):
    c = lax.axis_index("c")
    s = lax.axis_index("s")
    wid = s * _NC + c

    lo = jnp.minimum(wid, _NT_EXTRA)
    start = wid * _NT_LO + lo
    cnt = jnp.where(wid < _NT_EXTRA, _NT_LO + 1, _NT_LO)
    cnt = jnp.where(wid == _NW - 1, cnt - 1, cnt)

    iota = lax.iota(jnp.int32, 16)
    qv = [lax.shift_right_logical(iota, 1) + 8 * l for l in range(8)]
    cb = lax.shift_left(lax.bitwise_and(iota, 1), 6)

    def fetch(v, buf, sem):
        return pltpu.async_copy(tabt_hbm.at[:, pl.ds(v * 128, 128)], buf, sem)

    def transpose(sbuf, obuf):
        def frow(f, _):
            cv = cb + f
            for l in range(8):
                v = sbuf[f, pl.ds(l * 16, 16)]
                plsc.store_scatter(obuf, [qv[l], cv], v)
            return 0

        lax.fori_loop(0, 64, frow, 0)

    def put(v, obuf, sem):
        return pltpu.async_copy(
            obuf.at[:, pl.ds(0, 128)], t2_hbm.at[pl.ds(v * 64, 64), :], sem
        )

    def wait_put(v, obuf, sem):
        pltpu.make_async_copy(
            obuf.at[:, pl.ds(0, 128)], t2_hbm.at[pl.ds(v * 64, 64), :], sem
        ).wait()

    fetch(start, sbufa, gsema)

    def step(i, _):
        va = start + 2 * i
        in_b = va + 1 < start + cnt

        @pl.when(in_b)
        def _():
            fetch(va + 1, sbufb, gsemb)

        pltpu.make_async_copy(
            tabt_hbm.at[:, pl.ds(va * 128, 128)], sbufa, gsema
        ).wait()

        @pl.when(i > 0)
        def _():
            wait_put(va, obufa, osema)

        transpose(sbufa, obufa)
        put(va, obufa, osema)

        @pl.when(va + 2 < start + cnt)
        def _():
            fetch(va + 2, sbufa, gsema)

        @pl.when(in_b)
        def _():
            pltpu.make_async_copy(
                tabt_hbm.at[:, pl.ds((va + 1) * 128, 128)], sbufb, gsemb
            ).wait()

            @pl.when(i > 0)
            def _():
                wait_put(va, obufb, osemb)

            transpose(sbufb, obufb)
            put(va + 1, obufb, osemb)

        return 0

    nsteps = lax.div(cnt + 1, 2)
    lax.fori_loop(0, nsteps, step, 0)

    wait_put(start, obufa, osema)

    @pl.when(cnt > 1)
    def _():
        wait_put(start, obufb, osemb)

    @pl.when(wid == _NW - 1)
    def _():
        pltpu.sync_copy(tail2_hbm, sbufa.at[pl.ds(0, 32), :])
        pltpu.sync_copy(
            sbufa.at[pl.ds(0, 32), :],
            t2_hbm.at[pl.ds((_NT - 1) * 64, 32), :],
        )


_TAIL0 = (_NT - 1) * 128


def _gather_body(
    xt_hbm, tab_hbm, pe_hbm, out_hbm,
    idx_v, pe_v, gbufa, gbufb, obufa, obufb,
    gsema, gsemb, osema, osemb,
):
    c = lax.axis_index("c")
    s = lax.axis_index("s")
    wid = s * _NC + c

    pltpu.sync_copy(xt_hbm.at[:, pl.ds(wid * _BG, _BG)], idx_v)
    pltpu.sync_copy(pe_hbm, pe_v)

    iota = lax.iota(jnp.int32, 16)
    fgv = [lax.shift_right_logical(iota + 16 * k, 3) for k in range(4)]
    f8v = [lax.bitwise_and(iota + 16 * k, 7) for k in range(4)]

    def gather(j, buf, sem):
        return pltpu.async_copy(tab_hbm.at[idx_v.at[j]], buf, sem)

    def transpose_add(j, gbuf, obuf):
        pe_row = [pe_v[j, pl.ds(k * 16, 16)] for k in range(_DIM // 16)]

        def brow(b, _):
            bv = lax.full((16,), 0, jnp.int32) + b
            for k in range(_DIM // 16):
                v = gbuf[b, pl.ds(k * 16, 16)] + pe_row[k]
                plsc.store_scatter(obuf, [fgv[k], f8v[k], bv], v)
            return 0

        lax.fori_loop(0, _BG, brow, 0)

    def put(j, obuf, sem):
        return pltpu.async_copy(
            obuf.at[:, :, pl.ds(0, _BG)], out_hbm.at[j, :, wid, :, :], sem
        )

    gather(0, gbufa, gsema)

    def pair(m, _):
        ja = 2 * m
        gather(ja + 1, gbufb, gsemb)
        pltpu.make_async_copy(tab_hbm.at[idx_v.at[ja]], gbufa, gsema).wait()
        transpose_add(ja, gbufa, obufa)

        @pl.when(m > 0)
        def _():
            pltpu.make_async_copy(
                obufb.at[:, :, pl.ds(0, _BG)], out_hbm.at[ja - 1, :, wid, :, :], osemb
            ).wait()

        out_a = put(ja, obufa, osema)

        @pl.when(m < _NPAIR - 1)
        def _():
            gather(ja + 2, gbufa, gsema)

        pltpu.make_async_copy(
            tab_hbm.at[idx_v.at[ja + 1]], gbufb, gsemb
        ).wait()
        transpose_add(ja + 1, gbufb, obufb)
        out_a.wait()
        put(ja + 1, obufb, osemb)
        return 0

    lax.fori_loop(0, _NPAIR, pair, 0)
    pltpu.make_async_copy(
        obufb.at[:, :, pl.ds(0, _BG)], out_hbm.at[_L - 1, :, wid, :, :], osemb
    ).wait()


@jax.jit
def kernel(x, table):
    pe = _make_pe()
    xt = x.T.astype(jnp.int32)
    tabt = table.T

    mesh = plsc.VectorSubcoreMesh(core_axis_name="c", subcore_axis_name="s")

    t2 = pl.kernel(
        _relayout_body,
        out_type=jax.ShapeDtypeStruct((_T2ROWS, 128), jnp.float32),
        mesh=mesh,
        scratch_types=[
            pltpu.VMEM((_DIM, 128), jnp.float32),
            pltpu.VMEM((_DIM, 128), jnp.float32),
            pltpu.VMEM((_DIM, 129), jnp.float32),
            pltpu.VMEM((_DIM, 129), jnp.float32),
            pltpu.SemaphoreType.DMA,
            pltpu.SemaphoreType.DMA,
            pltpu.SemaphoreType.DMA,
            pltpu.SemaphoreType.DMA,
        ],
        compiler_params=pltpu.CompilerParams(
            use_tc_tiling_on_sc=True, needs_layout_passes=False
        ),
    )(tabt, table[_TAIL0:, :].reshape(32, 128))

    tab_lin = t2.reshape(_VPAD, _DIM)

    out5 = pl.kernel(
        _gather_body,
        out_type=jax.ShapeDtypeStruct((_L, 8, _NW, 8, _BG), jnp.float32),
        mesh=mesh,
        scratch_types=[
            pltpu.VMEM((_L, _BG), jnp.int32),
            pltpu.VMEM((_L, _DIM), jnp.float32),
            pltpu.VMEM((_BG, _DIM), jnp.float32),
            pltpu.VMEM((_BG, _DIM), jnp.float32),
            pltpu.VMEM((8, 8, _BG + 1), jnp.float32),
            pltpu.VMEM((8, 8, _BG + 1), jnp.float32),
            pltpu.SemaphoreType.DMA,
            pltpu.SemaphoreType.DMA,
            pltpu.SemaphoreType.DMA,
            pltpu.SemaphoreType.DMA,
        ],
        compiler_params=pltpu.CompilerParams(
            use_tc_tiling_on_sc=False, needs_layout_passes=False
        ),
    )(xt, tab_lin, pe)
    return out5.transpose(2, 4, 0, 1, 3).reshape(_B, _L, _DIM)

# --- scband reference (transcript-rebuilt; emitter-appended) ---
"""Pipeline reference for scband-token-embedding-55465207660786 (READ-ONLY COPY).

The authoritative reference and input builder live on the scoring server;
editing this copy changes nothing except your own understanding.
"""

import jax, jax.numpy as jnp
import numpy as np

VOCAB = 1000000
DIM = 64
BASE = 10000.0
CTX = 512


def make_pe():
    pos = jnp.arange(CTX, dtype=jnp.float32)[:, None]
    div = jnp.exp(jnp.arange(0, DIM, 2, dtype=jnp.float32) * (-jnp.log(BASE) / DIM))
    pe = jnp.zeros((CTX, DIM), dtype=jnp.float32)
    pe = pe.at[:, 0::2].set(jnp.sin(pos * div))
    pe = pe.at[:, 1::2].set(jnp.cos(pos * div))
    return pe


def setup_inputs(seed: int = 0) -> dict:
    key = jax.random.key(seed)
    k1, k2 = jax.random.split(key)
    x = jax.random.randint(k1, (4096, 200), 0, VOCAB)
    table = jax.random.normal(k2, (VOCAB, DIM), dtype=jnp.float32)
    return {"x": x, "table": table}


def reference(x, table):
    # token embedding lookup (gather)
    emb = jnp.take(table, x, axis=0)
    # sinusoidal positional encoding, add; dropout p=0.0 (eval) is identity
    pe = make_pe()
    L = x.shape[1]
    return emb + pe[None, :L, :]

if __name__ == "__main__":
    import jax
    _d = setup_inputs()
    print(jax.jit(kernel)(*tuple(_d.values())))

</pallas_src>

<mosaic_0001>
#map = affine_map<(d0, d1) -> (0, 0)>
module attributes {stable_mosaic.version = 14 : i64} {
  func.func @_relayout_body(%arg0: i32, %arg1: i32, %arg2: memref<64x1000000xf32, #tpu.memory_space<hbm>>, %arg3: memref<32x128xf32, #tpu.memory_space<hbm>>, %arg4: memref<500032x128xf32, #tpu.memory_space<hbm>>, %arg5: memref<64x128xf32, #tpu.memory_space<vmem>>, %arg6: memref<64x128xf32, #tpu.memory_space<vmem>>, %arg7: memref<64x129xf32, #tpu.memory_space<vmem>>, %arg8: memref<64x129xf32, #tpu.memory_space<vmem>>, %arg9: memref<!tpu.dma_semaphore, #tpu.memory_space<semaphore_mem>>, %arg10: memref<!tpu.dma_semaphore, #tpu.memory_space<semaphore_mem>>, %arg11: memref<!tpu.dma_semaphore, #tpu.memory_space<semaphore_mem>>, %arg12: memref<!tpu.dma_semaphore, #tpu.memory_space<semaphore_mem>>) attributes {dimension_semantics = [#tpu.dimension_semantics<core_parallel>, #tpu.dimension_semantics<subcore_parallel>], iteration_bounds = array<i64: 2, 16>, scalar_prefetch = 0 : i64, scratch_operands = 8 : i64, tpu.core_type = #tpu.core_type<sc_vector_subcore>, window_params = [{transform_indices = #map}, {transform_indices = #map}, {transform_indices = #map}]} {
    %mul3A = arith.constant 2 : i32
    %mul3A_0 = arith.muli %arg1, %mul3A : i32
    %add3A = arith.addi %mul3A_0, %arg0 : i32
    %min3A = arith.constant 5 : i32
    %min3A_1 = arith.minsi %add3A, %min3A : i32
    %mul3A_2 = arith.constant 244 : i32
    %mul3A_3 = arith.muli %add3A, %mul3A_2 : i32
    %add3A_4 = arith.addi %mul3A_3, %min3A_1 : i32
    %lt3A = arith.constant 5 : i32
    %lt3A_5 = arith.cmpi slt, %add3A, %lt3A : i32
    %jit3A = arith.constant 245 : i32
    %jit3A_6 = arith.constant 244 : i32
    %select_n3A = arith.select %lt3A_5, %jit3A, %jit3A_6 : i32
    %eq3A = arith.constant 31 : i32
    %eq3A_7 = arith.cmpi eq, %add3A, %eq3A : i32
    %sub3A = arith.constant 1 : i32
    %sub3A_8 = arith.subi %select_n3A, %sub3A : i32
    %select_n3A_9 = arith.select %eq3A_7, %sub3A_8, %select_n3A : i32
    %iota3A = tpu.iota {dimensions = array<i32: 0>} : vector<16xi32>
    %shift_right_logical3A = arith.constant 1 : i32
    %shift_right_logical3A_10 = vector.broadcast %shift_right_logical3A : i32 to vector<16xi32>
    %shift_right_logical3A_11 = arith.shrui %iota3A, %shift_right_logical3A_10 : vector<16xi32>
    %add3A_12 = arith.constant 0 : i32
    %add3A_13 = vector.broadcast %add3A_12 : i32 to vector<16xi32>
    %add3A_14 = arith.addi %shift_right_logical3A_11, %add3A_13 : vector<16xi32>
    %shift_right_logical3A_15 = arith.constant 1 : i32
    %shift_right_logical3A_16 = vector.broadcast %shift_right_logical3A_15 : i32 to vector<16xi32>
    %shift_right_logical3A_17 = arith.shrui %iota3A, %shift_right_logical3A_16 : vector<16xi32>
    %add3A_18 = arith.constant 8 : i32
    %add3A_19 = vector.broadcast %add3A_18 : i32 to vector<16xi32>
    %add3A_20 = arith.addi %shift_right_logical3A_17, %add3A_19 : vector<16xi32>
    %shift_right_logical3A_21 = arith.constant 1 : i32
    %shift_right_logical3A_22 = vector.broadcast %shift_right_logical3A_21 : i32 to vector<16xi32>
    %shift_right_logical3A_23 = arith.shrui %iota3A, %shift_right_logical3A_22 : vector<16xi32>
    %add3A_24 = arith.constant 16 : i32
    %add3A_25 = vector.broadcast %add3A_24 : i32 to vector<16xi32>
    %add3A_26 = arith.addi %shift_right_logical3A_23, %add3A_25 : vector<16xi32>
    %shift_right_logical3A_27 = arith.constant 1 : i32
    %shift_right_logical3A_28 = vector.broadcast %shift_right_logical3A_27 : i32 to vector<16xi32>
    %shift_right_logical3A_29 = arith.shrui %iota3A, %shift_right_logical3A_28 : vector<16xi32>
    %add3A_30 = arith.constant 24 : i32
    %add3A_31 = vector.broadcast %add3A_30 : i32 to vector<16xi32>
    %add3A_32 = arith.addi %shift_right_logical3A_29, %add3A_31 : vector<16xi32>
    %shift_right_logical3A_33 = arith.constant 1 : i32
    %shift_right_logical3A_34 = vector.broadcast %shift_right_logical3A_33 : i32 to vector<16xi32>
    %shift_right_logical3A_35 = arith.shrui %iota3A, %shift_right_logical3A_34 : vector<16xi32>
    %add3A_36 = arith.constant 32 : i32
    %add3A_37 = vector.broadcast %add3A_36 : i32 to vector<16xi32>
    %add3A_38 = arith.addi %shift_right_logical3A_35, %add3A_37 : vector<16xi32>
    %shift_right_logical3A_39 = arith.constant 1 : i32
    %shift_right_logical3A_40 = vector.broadcast %shift_right_logical3A_39 : i32 to vector<16xi32>
    %shift_right_logical3A_41 = arith.shrui %iota3A, %shift_right_logical3A_40 : vector<16xi32>
    %add3A_42 = arith.constant 40 : i32
    %add3A_43 = vector.broadcast %add3A_42 : i32 to vector<16xi32>
    %add3A_44 = arith.addi %shift_right_logical3A_41, %add3A_43 : vector<16xi32>
    %shift_right_logical3A_45 = arith.constant 1 : i32
    %shift_right_logical3A_46 = vector.broadcast %shift_right_logical3A_45 : i32 to vector<16xi32>
    %shift_right_logical3A_47 = arith.shrui %iota3A, %shift_right_logical3A_46 : vector<16xi32>
    %add3A_48 = arith.constant 48 : i32
    %add3A_49 = vector.broadcast %add3A_48 : i32 to vector<16xi32>
    %add3A_50 = arith.addi %shift_right_logical3A_47, %add3A_49 : vector<16xi32>
    %shift_right_logical3A_51 = arith.constant 1 : i32
    %shift_right_logical3A_52 = vector.broadcast %shift_right_logical3A_51 : i32 to vector<16xi32>
    %shift_right_logical3A_53 = arith.shrui %iota3A, %shift_right_logical3A_52 : vector<16xi32>
    %add3A_54 = arith.constant 56 : i32
    %add3A_55 = vector.broadcast %add3A_54 : i32 to vector<16xi32>
    %add3A_56 = arith.addi %shift_right_logical3A_53, %add3A_55 : vector<16xi32>
    %and3A = arith.constant 1 : i32
    %and3A_57 = vector.broadcast %and3A : i32 to vector<16xi32>
    %and3A_58 = arith.andi %iota3A, %and3A_57 : vector<16xi32>
    %shift_left3A = arith.constant 6 : i32
    %shift_left3A_59 = vector.broadcast %shift_left3A : i32 to vector<16xi32>
    %shift_left3A_60 = arith.shli %and3A_58, %shift_left3A_59 : vector<16xi32>
    %mul3A_61 = arith.constant 128 : i32
    %mul3A_62 = arith.muli %add3A_4, %mul3A_61 : i32
    %dma_start3A = arith.constant 0 : i32
    %dma_start3A_63 = tpu.memref_slice %arg2[%dma_start3A, %mul3A_62] : memref<64x1000000xf32, #tpu.memory_space<hbm>> -> memref<64x128xf32, #tpu.memory_space<hbm>>
    %dma_start3A_64 = arith.constant 0 : i32
    %dma_start3A_65 = tpu.memref_slice %arg2[%dma_start3A_64, %mul3A_62] : memref<64x1000000xf32, #tpu.memory_space<hbm>> -> memref<64x128xf32, #tpu.memory_space<hbm>>
    tpu.enqueue_dma source(%dma_start3A_65 : memref<64x128xf32, #tpu.memory_space<hbm>>) target(%arg5 : memref<64x128xf32, #tpu.memory_space<vmem>>) target_semaphore(%arg9 : memref<!tpu.dma_semaphore, #tpu.memory_space<semaphore_mem>>)
    %add3A_66 = arith.constant 1 : i32
    %add3A_67 = arith.addi %select_n3A_9, %add3A_66 : i32
    %div3A = arith.constant 2 : i32
    %div3A_68 = arith.divsi %add3A_67, %div3A : i32
    %while3A = arith.constant 0 : i32
    %while3A_69 = arith.constant 0 : i32
    %while3A_70 = arith.subi %div3A_68, %while3A : i32
    %while3A_71 = arith.addi %while3A, %while3A_70 : i32
    %while3A_72 = arith.constant 1 : i32
    %while3A_73 = arith.divsi %while3A_70, %while3A_72 : i32
    %while3A_74 = arith.muli %while3A_73, %while3A_72 : i32
    %while3A_75 = arith.addi %while3A, %while3A_74 : i32
    %while3A_76 = arith.constant 1 : i32
    %while3A_77 = scf.for %while3A_98 = %while3A to %while3A_75 step %while3A_76 iter_args(%while3A_99 = %while3A_69) -> (i32)  : i32 {
      %mul3A_100 = arith.constant 2 : i32
      %mul3A_101 = arith.muli %mul3A_100, %while3A_98 : i32
      %add3A_102 = arith.addi %add3A_4, %mul3A_101 : i32
      %add3A_103 = arith.constant 1 : i32
      %add3A_104 = arith.addi %add3A_102, %add3A_103 : i32
      %add3A_105 = arith.addi %add3A_4, %select_n3A_9 : i32
      %lt3A_106 = arith.cmpi slt, %add3A_104, %add3A_105 : i32
      %convert_element_type3A_107 = arith.extui %lt3A_106 : i1 to i32
      %cond3A_108 = arith.constant 0 : i32
      %cond3A_109 = arith.cmpi ne, %convert_element_type3A_107, %cond3A_108 : i32
      scf.if %cond3A_109 {
        %add3A_150 = arith.constant 1 : i32
        %add3A_151 = arith.addi %add3A_102, %add3A_150 : i32
        %mul3A_152 = arith.constant 128 : i32
        %mul3A_153 = arith.muli %add3A_151, %mul3A_152 : i32
        %dma_start3A_154 = arith.constant 0 : i32
        %dma_start3A_155 = tpu.memref_slice %arg2[%dma_start3A_154, %mul3A_153] : memref<64x1000000xf32, #tpu.memory_space<hbm>> -> memref<64x128xf32, #tpu.memory_space<hbm>>
        %dma_start3A_156 = arith.constant 0 : i32
        %dma_start3A_157 = tpu.memref_slice %arg2[%dma_start3A_156, %mul3A_153] : memref<64x1000000xf32, #tpu.memory_space<hbm>> -> memref<64x128xf32, #tpu.memory_space<hbm>>
        tpu.enqueue_dma source(%dma_start3A_157 : memref<64x128xf32, #tpu.memory_space<hbm>>) target(%arg6 : memref<64x128xf32, #tpu.memory_space<vmem>>) target_semaphore(%arg10 : memref<!tpu.dma_semaphore, #tpu.memory_space<semaphore_mem>>)
      } else {
      }
      %mul3A_110 = arith.constant 128 : i32
      %mul3A_111 = arith.muli %add3A_102, %mul3A_110 : i32
      %dma_wait3A_112 = arith.constant 0 : i32
      %dma_wait3A_113 = tpu.memref_slice %arg2[%dma_wait3A_112, %mul3A_111] : memref<64x1000000xf32, #tpu.memory_space<hbm>> -> memref<64x128xf32, #tpu.memory_space<hbm>>
      %dma_wait3A_114 = arith.constant 0 : i32
      %dma_wait3A_115 = tpu.memref_slice %arg2[%dma_wait3A_114, %mul3A_111] : memref<64x1000000xf32, #tpu.memory_space<hbm>> -> memref<64x128xf32, #tpu.memory_space<hbm>>
      tpu.wait_dma2 semaphore(%arg9 : memref<!tpu.dma_semaphore, #tpu.memory_space<semaphore_mem>>) src(%dma_wait3A_115 : memref<64x128xf32, #tpu.memory_space<hbm>>) dst(%arg5 : memref<64x128xf32, #tpu.memory_space<vmem>>)
      %gt3A_116 = arith.constant 0 : i32
      %gt3A_117 = arith.cmpi sgt, %while3A_98, %gt3A_116 : i32
      %convert_element_type3A_118 = arith.extui %gt3A_117 : i1 to i32
      %cond3A_119 = arith.constant 0 : i32
      %cond3A_120 = arith.cmpi ne, %convert_element_type3A_118, %cond3A_119 : i32
      scf.if %cond3A_120 {
        %mul3A_150 = arith.constant 64 : i32
        %mul3A_151 = arith.muli %add3A_102, %mul3A_150 : i32
        %dma_wait3A_152 = arith.constant 0 : i32
        %dma_wait3A_153 = arith.constant 0 : i32
        %dma_wait3A_154 = tpu.memref_slice %arg7[%dma_wait3A_152, %dma_wait3A_153] : memref<64x129xf32, #tpu.memory_space<vmem>> -> memref<64x128xf32, #tpu.memory_space<vmem>>
        %dma_wait3A_155 = arith.constant 0 : i32
        %dma_wait3A_156 = tpu.memref_slice %arg4[%mul3A_151, %dma_wait3A_155] : memref<500032x128xf32, #tpu.memory_space<hbm>> -> memref<64x128xf32, #tpu.memory_space<hbm>>
        %dma_wait3A_157 = arith.constant 0 : i32
        %dma_wait3A_158 = tpu.memref_slice %arg4[%mul3A_151, %dma_wait3A_157] : memref<500032x128xf32, #tpu.memory_space<hbm>> -> memref<64x128xf32, #tpu.memory_space<hbm>>
        %dma_wait3A_159 = arith.constant 0 : i32
        %dma_wait3A_160 = arith.constant 0 : i32
        %dma_wait3A_161 = tpu.memref_slice %arg7[%dma_wait3A_159, %dma_wait3A_160] : memref<64x129xf32, #tpu.memory_space<vmem>> -> memref<64x128xf32, #tpu.memory_space<vmem>>
        tpu.wait_dma2 semaphore(%arg11 : memref<!tpu.dma_semaphore, #tpu.memory_space<semaphore_mem>>) src(%dma_wait3A_161 : memref<64x128xf32, #tpu.memory_space<vmem>>) dst(%dma_wait3A_158 : memref<64x128xf32, #tpu.memory_space<hbm>>)
      } else {
      }
      %scan3A = arith.constant 0 : i32
      %scan3A_121 = arith.constant 0 : i32
      %scan3A_122 = arith.constant 64 : i32
      %scan3A_123 = arith.addi %scan3A_121, %scan3A_122 : i32
      %scan3A_124 = arith.constant 1 : i32
      %scan3A_125 = scf.for %scan3A_150 = %scan3A_121 to %scan3A_123 step %scan3A_124 iter_args(%scan3A_151 = %scan3A) -> (i32)  : i32 {
        %add3A_152 = vector.broadcast %scan3A_150 : i32 to vector<16xi32>
        %add3A_153 = arith.addi %shift_left3A_60, %add3A_152 : vector<16xi32>
        %get3A = arith.index_cast %scan3A_150 : i32 to index
        %get3A_154 = arith.constant 0 : index
        %get3A_155 = tpu.vector_load %arg5[%get3A, %get3A_154] {strides = array<i32>} : memref<64x128xf32, #tpu.memory_space<vmem>>, vector<16xf32>,
        tpu.vector_store_idx %arg7[%add3A_14, %add3A_153], %get3A_155 : memref<64x129xf32, #tpu.memory_space<vmem>>[vector<16xi32>, vector<16xi32>], vector<16xf32>,
        %get3A_156 = arith.index_cast %scan3A_150 : i32 to index
        %get3A_157 = arith.constant 16 : index
        %get3A_158 = tpu.vector_load %arg5[%get3A_156, %get3A_157] {strides = array<i32>} : memref<64x128xf32, #tpu.memory_space<vmem>>, vector<16xf32>,
        tpu.vector_store_idx %arg7[%add3A_20, %add3A_153], %get3A_158 : memref<64x129xf32, #tpu.memory_space<vmem>>[vector<16xi32>, vector<16xi32>], vector<16xf32>,
        %get3A_159 = arith.index_cast %scan3A_150 : i32 to index
        %get3A_160 = arith.constant 32 : index
        %get3A_161 = tpu.vector_load %arg5[%get3A_159, %get3A_160] {strides = array<i32>} : memref<64x128xf32, #tpu.memory_space<vmem>>, vector<16xf32>,
        tpu.vector_store_idx %arg7[%add3A_26, %add3A_153], %get3A_161 : memref<64x129xf32, #tpu.memory_space<vmem>>[vector<16xi32>, vector<16xi32>], vector<16xf32>,
        %get3A_162 = arith.index_cast %scan3A_150 : i32 to index
        %get3A_163 = arith.constant 48 : index
        %get3A_164 = tpu.vector_load %arg5[%get3A_162, %get3A_163] {strides = array<i32>} : memref<64x128xf32, #tpu.memory_space<vmem>>, vector<16xf32>,
        tpu.vector_store_idx %arg7[%add3A_32, %add3A_153], %get3A_164 : memref<64x129xf32, #tpu.memory_space<vmem>>[vector<16xi32>, vector<16xi32>], vector<16xf32>,
        %get3A_165 = arith.index_cast %scan3A_150 : i32 to index
        %get3A_166 = arith.constant 64 : index
        %get3A_167 = tpu.vector_load %arg5[%get3A_165, %get3A_166] {strides = array<i32>} : memref<64x128xf32, #tpu.memory_space<vmem>>, vector<16xf32>,
        tpu.vector_store_idx %arg7[%add3A_38, %add3A_153], %get3A_167 : memref<64x129xf32, #tpu.memory_space<vmem>>[vector<16xi32>, vector<16xi32>], vector<16xf32>,
        %get3A_168 = arith.index_cast %scan3A_150 : i32 to index
        %get3A_169 = arith.constant 80 : index
        %get3A_170 = tpu.vector_load %arg5[%get3A_168, %get3A_169] {strides = array<i32>} : memref<64x128xf32, #tpu.memory_space<vmem>>, vector<16xf32>,
        tpu.vector_store_idx %arg7[%add3A_44, %add3A_153], %get3A_170 : memref<64x129xf32, #tpu.memory_space<vmem>>[vector<16xi32>, vector<16xi32>], vector<16xf32>,
        %get3A_171 = arith.index_cast %scan3A_150 : i32 to index
        %get3A_172 = arith.constant 96 : index
        %get3A_173 = tpu.vector_load %arg5[%get3A_171, %get3A_172] {strides = array<i32>} : memref<64x128xf32, #tpu.memory_space<vmem>>, vector<16xf32>,
        tpu.vector_store_idx %arg7[%add3A_50, %add3A_153], %get3A_173 : memref<64x129xf32, #tpu.memory_space<vmem>>[vector<16xi32>, vector<16xi32>], vector<16xf32>,
        %get3A_174 = arith.index_cast %scan3A_150 : i32 to index
        %get3A_175 = arith.constant 112 : index
        %get3A_176 = tpu.vector_load %arg5[%get3A_174, %get3A_175] {strides = array<i32>} : memref<64x128xf32, #tpu.memory_space<vmem>>, vector<16xf32>,
        tpu.vector_store_idx %arg7[%add3A_56, %add3A_153], %get3A_176 : memref<64x129xf32, #tpu.memory_space<vmem>>[vector<16xi32>, vector<16xi32>], vector<16xf32>,
        %scan3A_177 = arith.constant 0 : i32
        scf.yield %scan3A_177 : i32
      }
      %scan3A_126 = arith.constant 64 : i32
      %mul3A_127 = arith.constant 64 : i32
      %mul3A_128 = arith.muli %add3A_102, %mul3A_127 : i32
      %dma_start3A_129 = arith.constant 0 : i32
      %dma_start3A_130 = arith.constant 0 : i32
      %dma_start3A_131 = tpu.memref_slice %arg7[%dma_start3A_129, %dma_start3A_130] : memref<64x129xf32, #tpu.memory_space<vmem>> -> memref<64x128xf32, #tpu.memory_space<vmem>>
      %dma_start3A_132 = arith.constant 0 : i32
      %dma_start3A_133 = tpu.memref_slice %arg4[%mul3A_128, %dma_start3A_132] : memref<500032x128xf32, #tpu.memory_space<hbm>> -> memref<64x128xf32, #tpu.memory_space<hbm>>
      %dma_start3A_134 = arith.constant 0 : i32
      %dma_start3A_135 = tpu.memref_slice %arg4[%mul3A_128, %dma_start3A_134] : memref<500032x128xf32, #tpu.memory_space<hbm>> -> memref<64x128xf32, #tpu.memory_space<hbm>>
      %dma_start3A_136 = arith.constant 0 : i32
      %dma_start3A_137 = arith.constant 0 : i32
      %dma_start3A_138 = tpu.memref_slice %arg7[%dma_start3A_136, %dma_start3A_137] : memref<64x129xf32, #tpu.memory_space<vmem>> -> memref<64x128xf32, #tpu.memory_space<vmem>>
      tpu.enqueue_dma source(%dma_start3A_138 : memref<64x128xf32, #tpu.memory_space<vmem>>) target(%dma_start3A_135 : memref<64x128xf32, #tpu.memory_space<hbm>>) target_semaphore(%arg11 : memref<!tpu.dma_semaphore, #tpu.memory_space<semaphore_mem>>)
      %add3A_139 = arith.constant 2 : i32
      %add3A_140 = arith.addi %add3A_102, %add3A_139 : i32
      %add3A_141 = arith.addi %add3A_4, %select_n3A_9 : i32
      %lt3A_142 = arith.cmpi slt, %add3A_140, %add3A_141 : i32
      %convert_element_type3A_143 = arith.extui %lt3A_142 : i1 to i32
      %cond3A_144 = arith.constant 0 : i32
      %cond3A_145 = arith.cmpi ne, %convert_element_type3A_143, %cond3A_144 : i32
      scf.if %cond3A_145 {
        %add3A_150 = arith.constant 2 : i32
        %add3A_151 = arith.addi %add3A_102, %add3A_150 : i32
        %mul3A_152 = arith.constant 128 : i32
        %mul3A_153 = arith.muli %add3A_151, %mul3A_152 : i32
        %dma_start3A_154 = arith.constant 0 : i32
        %dma_start3A_155 = tpu.memref_slice %arg2[%dma_start3A_154, %mul3A_153] : memref<64x1000000xf32, #tpu.memory_space<hbm>> -> memref<64x128xf32, #tpu.memory_space<hbm>>
        %dma_start3A_156 = arith.constant 0 : i32
        %dma_start3A_157 = tpu.memref_slice %arg2[%dma_start3A_156, %mul3A_153] : memref<64x1000000xf32, #tpu.memory_space<hbm>> -> memref<64x128xf32, #tpu.memory_space<hbm>>
        tpu.enqueue_dma source(%dma_start3A_157 : memref<64x128xf32, #tpu.memory_space<hbm>>) target(%arg5 : memref<64x128xf32, #tpu.memory_space<vmem>>) target_semaphore(%arg9 : memref<!tpu.dma_semaphore, #tpu.memory_space<semaphore_mem>>)
      } else {
      }
      %convert_element_type3A_146 = arith.extui %lt3A_106 : i1 to i32
      %cond3A_147 = arith.constant 0 : i32
      %cond3A_148 = arith.cmpi ne, %convert_element_type3A_146, %cond3A_147 : i32
      scf.if %cond3A_148 {
        %add3A_150 = arith.constant 1 : i32
        %add3A_151 = arith.addi %add3A_102, %add3A_150 : i32
        %mul3A_152 = arith.constant 128 : i32
        %mul3A_153 = arith.muli %add3A_151, %mul3A_152 : i32
        %dma_wait3A_154 = arith.constant 0 : i32
        %dma_wait3A_155 = tpu.memref_slice %arg2[%dma_wait3A_154, %mul3A_153] : memref<64x1000000xf32, #tpu.memory_space<hbm>> -> memref<64x128xf32, #tpu.memory_space<hbm>>
        %dma_wait3A_156 = arith.constant 0 : i32
        %dma_wait3A_157 = tpu.memref_slice %arg2[%dma_wait3A_156, %mul3A_153] : memref<64x1000000xf32, #tpu.memory_space<hbm>> -> memref<64x128xf32, #tpu.memory_space<hbm>>
        tpu.wait_dma2 semaphore(%arg10 : memref<!tpu.dma_semaphore, #tpu.memory_space<semaphore_mem>>) src(%dma_wait3A_157 : memref<64x128xf32, #tpu.memory_space<hbm>>) dst(%arg6 : memref<64x128xf32, #tpu.memory_space<vmem>>)
        %gt3A_158 = arith.constant 0 : i32
        %gt3A_159 = arith.cmpi sgt, %while3A_98, %gt3A_158 : i32
        %convert_element_type3A_160 = arith.extui %gt3A_159 : i1 to i32
        %cond3A_161 = arith.constant 0 : i32
        %cond3A_162 = arith.cmpi ne, %convert_element_type3A_160, %cond3A_161 : i32
        scf.if %cond3A_162 {
          %mul3A_184 = arith.constant 64 : i32
          %mul3A_185 = arith.muli %add3A_102, %mul3A_184 : i32
          %dma_wait3A_186 = arith.constant 0 : i32
          %dma_wait3A_187 = arith.constant 0 : i32
          %dma_wait3A_188 = tpu.memref_slice %arg8[%dma_wait3A_186, %dma_wait3A_187] : memref<64x129xf32, #tpu.memory_space<vmem>> -> memref<64x128xf32, #tpu.memory_space<vmem>>
          %dma_wait3A_189 = arith.constant 0 : i32
          %dma_wait3A_190 = tpu.memref_slice %arg4[%mul3A_185, %dma_wait3A_189] : memref<500032x128xf32, #tpu.memory_space<hbm>> -> memref<64x128xf32, #tpu.memory_space<hbm>>
          %dma_wait3A_191 = arith.constant 0 : i32
          %dma_wait3A_192 = tpu.memref_slice %arg4[%mul3A_185, %dma_wait3A_191] : memref<500032x128xf32, #tpu.memory_space<hbm>> -> memref<64x128xf32, #tpu.memory_space<hbm>>
          %dma_wait3A_193 = arith.constant 0 : i32
          %dma_wait3A_194 = arith.constant 0 : i32
          %dma_wait3A_195 = tpu.memref_slice %arg8[%dma_wait3A_193, %dma_wait3A_194] : memref<64x129xf32, #tpu.memory_space<vmem>> -> memref<64x128xf32, #tpu.memory_space<vmem>>
          tpu.wait_dma2 semaphore(%arg12 : memref<!tpu.dma_semaphore, #tpu.memory_space<semaphore_mem>>) src(%dma_wait3A_195 : memref<64x128xf32, #tpu.memory_space<vmem>>) dst(%dma_wait3A_192 : memref<64x128xf32, #tpu.memory_space<hbm>>)
        } else {
        }
        %scan3A_163 = arith.constant 0 : i32
        %scan3A_164 = arith.constant 0 : i32
        %scan3A_165 = arith.constant 64 : i32
        %scan3A_166 = arith.addi %scan3A_164, %scan3A_165 : i32
        %scan3A_167 = arith.constant 1 : i32
        %scan3A_168 = scf.for %scan3A_184 = %scan3A_164 to %scan3A_166 step %scan3A_167 iter_args(%scan3A_185 = %scan3A_163) -> (i32)  : i32 {
          %add3A_186 = vector.broadcast %scan3A_184 : i32 to vector<16xi32>
          %add3A_187 = arith.addi %shift_left3A_60, %add3A_186 : vector<16xi32>
          %get3A = arith.index_cast %scan3A_184 : i32 to index
          %get3A_188 = arith.constant 0 : index
          %get3A_189 = tpu.vector_load %arg6[%get3A, %get3A_188] {strides = array<i32>} : memref<64x128xf32, #tpu.memory_space<vmem>>, vector<16xf32>,
          tpu.vector_store_idx %arg8[%add3A_14, %add3A_187], %get3A_189 : memref<64x129xf32, #tpu.memory_space<vmem>>[vector<16xi32>, vector<16xi32>], vector<16xf32>,
          %get3A_190 = arith.index_cast %scan3A_184 : i32 to index
          %get3A_191 = arith.constant 16 : index
          %get3A_192 = tpu.vector_load %arg6[%get3A_190, %get3A_191] {strides = array<i32>} : memref<64x128xf32, #tpu.memory_space<vmem>>, vector<16xf32>,
          tpu.vector_store_idx %arg8[%add3A_20, %add3A_187], %get3A_192 : memref<64x129xf32, #tpu.memory_space<vmem>>[vector<16xi32>, vector<16xi32>], vector<16xf32>,
          %get3A_193 = arith.index_cast %scan3A_184 : i32 to index
          %get3A_194 = arith.constant 32 : index
          %get3A_195 = tpu.vector_load %arg6[%get3A_193, %get3A_194] {strides = array<i32>} : memref<64x128xf32, #tpu.memory_space<vmem>>, vector<16xf32>,
          tpu.vector_store_idx %arg8[%add3A_26, %add3A_187], %get3A_195 : memref<64x129xf32, #tpu.memory_space<vmem>>[vector<16xi32>, vector<16xi32>], vector<16xf32>,
          %get3A_196 = arith.index_cast %scan3A_184 : i32 to index
          %get3A_197 = arith.constant 48 : index
          %get3A_198 = tpu.vector_load %arg6[%get3A_196, %get3A_197] {strides = array<i32>} : memref<64x128xf32, #tpu.memory_space<vmem>>, vector<16xf32>,
          tpu.vector_store_idx %arg8[%add3A_32, %add3A_187], %get3A_198 : memref<64x129xf32, #tpu.memory_space<vmem>>[vector<16xi32>, vector<16xi32>], vector<16xf32>,
          %get3A_199 = arith.index_cast %scan3A_184 : i32 to index
          %get3A_200 = arith.constant 64 : index
          %get3A_201 = tpu.vector_load %arg6[%get3A_199, %get3A_200] {strides = array<i32>} : memref<64x128xf32, #tpu.memory_space<vmem>>, vector<16xf32>,
          tpu.vector_store_idx %arg8[%add3A_38, %add3A_187], %get3A_201 : memref<64x129xf32, #tpu.memory_space<vmem>>[vector<16xi32>, vector<16xi32>], vector<16xf32>,
          %get3A_202 = arith.index_cast %scan3A_184 : i32 to index
          %get3A_203 = arith.constant 80 : index
          %get3A_204 = tpu.vector_load %arg6[%get3A_202, %get3A_203] {strides = array<i32>} : memref<64x128xf32, #tpu.memory_space<vmem>>, vector<16xf32>,
          tpu.vector_store_idx %arg8[%add3A_44, %add3A_187], %get3A_204 : memref<64x129xf32, #tpu.memory_space<vmem>>[vector<16xi32>, vector<16xi32>], vector<16xf32>,
          %get3A_205 = arith.index_cast %scan3A_184 : i32 to index
          %get3A_206 = arith.constant 96 : index
          %get3A_207 = tpu.vector_load %arg6[%get3A_205, %get3A_206] {strides = array<i32>} : memref<64x128xf32, #tpu.memory_space<vmem>>, vector<16xf32>,
          tpu.vector_store_idx %arg8[%add3A_50, %add3A_187], %get3A_207 : memref<64x129xf32, #tpu.memory_space<vmem>>[vector<16xi32>, vector<16xi32>], vector<16xf32>,
          %get3A_208 = arith.index_cast %scan3A_184 : i32 to index
          %get3A_209 = arith.constant 112 : index
          %get3A_210 = tpu.vector_load %arg6[%get3A_208, %get3A_209] {strides = array<i32>} : memref<64x128xf32, #tpu.memory_space<vmem>>, vector<16xf32>,
          tpu.vector_store_idx %arg8[%add3A_56, %add3A_187], %get3A_210 : memref<64x129xf32, #tpu.memory_space<vmem>>[vector<16xi32>, vector<16xi32>], vector<16xf32>,
          %scan3A_211 = arith.constant 0 : i32
          scf.yield %scan3A_211 : i32
        }
        %scan3A_169 = arith.constant 64 : i32
        %add3A_170 = arith.constant 1 : i32
        %add3A_171 = arith.addi %add3A_102, %add3A_170 : i32
        %mul3A_172 = arith.constant 64 : i32
        %mul3A_173 = arith.muli %add3A_171, %mul3A_172 : i32
        %dma_start3A_174 = arith.constant 0 : i32
        %dma_start3A_175 = arith.constant 0 : i32
        %dma_start3A_176 = tpu.memref_slice %arg8[%dma_start3A_174, %dma_start3A_175] : memref<64x129xf32, #tpu.memory_space<vmem>> -> memref<64x128xf32, #tpu.memory_space<vmem>>
        %dma_start3A_177 = arith.constant 0 : i32
        %dma_start3A_178 = tpu.memref_slice %arg4[%mul3A_173, %dma_start3A_177] : memref<500032x128xf32, #tpu.memory_space<hbm>> -> memref<64x128xf32, #tpu.memory_space<hbm>>
        %dma_start3A_179 = arith.constant 0 : i32
        %dma_start3A_180 = tpu.memref_slice %arg4[%mul3A_173, %dma_start3A_179] : memref<500032x128xf32, #tpu.memory_space<hbm>> -> memref<64x128xf32, #tpu.memory_space<hbm>>
        %dma_start3A_181 = arith.constant 0 : i32
        %dma_start3A_182 = arith.constant 0 : i32
        %dma_start3A_183 = tpu.memref_slice %arg8[%dma_start3A_181, %dma_start3A_182] : memref<64x129xf32, #tpu.memory_space<vmem>> -> memref<64x128xf32, #tpu.memory_space<vmem>>
        tpu.enqueue_dma source(%dma_start3A_183 : memref<64x128xf32, #tpu.memory_space<vmem>>) target(%dma_start3A_180 : memref<64x128xf32, #tpu.memory_space<hbm>>) target_semaphore(%arg12 : memref<!tpu.dma_semaphore, #tpu.memory_space<semaphore_mem>>)
      } else {
      }
      %while3A_149 = arith.constant 0 : i32
      scf.yield %while3A_149 : i32
    }
    %while3A_78 = arith.constant 1 : i32
    %while3A_79 = scf.for %while3A_98 = %while3A_75 to %while3A_71 step %while3A_78 iter_args(%while3A_99 = %while3A_77) -> (i32)  : i32 {
      %mul3A_100 = arith.constant 2 : i32
      %mul3A_101 = arith.muli %mul3A_100, %while3A_98 : i32
      %add3A_102 = arith.addi %add3A_4, %mul3A_101 : i32
      %add3A_103 = arith.constant 1 : i32
      %add3A_104 = arith.addi %add3A_102, %add3A_103 : i32
      %add3A_105 = arith.addi %add3A_4, %select_n3A_9 : i32
      %lt3A_106 = arith.cmpi slt, %add3A_104, %add3A_105 : i32
      %convert_element_type3A_107 = arith.extui %lt3A_106 : i1 to i32
      %cond3A_108 = arith.constant 0 : i32
      %cond3A_109 = arith.cmpi ne, %convert_element_type3A_107, %cond3A_108 : i32
      scf.if %cond3A_109 {
        %add3A_150 = arith.constant 1 : i32
        %add3A_151 = arith.addi %add3A_102, %add3A_150 : i32
        %mul3A_152 = arith.constant 128 : i32
        %mul3A_153 = arith.muli %add3A_151, %mul3A_152 : i32
        %dma_start3A_154 = arith.constant 0 : i32
        %dma_start3A_155 = tpu.memref_slice %arg2[%dma_start3A_154, %mul3A_153] : memref<64x1000000xf32, #tpu.memory_space<hbm>> -> memref<64x128xf32, #tpu.memory_space<hbm>>
        %dma_start3A_156 = arith.constant 0 : i32
        %dma_start3A_157 = tpu.memref_slice %arg2[%dma_start3A_156, %mul3A_153] : memref<64x1000000xf32, #tpu.memory_space<hbm>> -> memref<64x128xf32, #tpu.memory_space<hbm>>
        tpu.enqueue_dma source(%dma_start3A_157 : memref<64x128xf32, #tpu.memory_space<hbm>>) target(%arg6 : memref<64x128xf32, #tpu.memory_space<vmem>>) target_semaphore(%arg10 : memref<!tpu.dma_semaphore, #tpu.memory_space<semaphore_mem>>)
      } else {
      }
      %mul3A_110 = arith.constant 128 : i32
      %mul3A_111 = arith.muli %add3A_102, %mul3A_110 : i32
      %dma_wait3A_112 = arith.constant 0 : i32
      %dma_wait3A_113 = tpu.memref_slice %arg2[%dma_wait3A_112, %mul3A_111] : memref<64x1000000xf32, #tpu.memory_space<hbm>> -> memref<64x128xf32, #tpu.memory_space<hbm>>
      %dma_wait3A_114 = arith.constant 0 : i32
      %dma_wait3A_115 = tpu.memref_slice %arg2[%dma_wait3A_114, %mul3A_111] : memref<64x1000000xf32, #tpu.memory_space<hbm>> -> memref<64x128xf32, #tpu.memory_space<hbm>>
      tpu.wait_dma2 semaphore(%arg9 : memref<!tpu.dma_semaphore, #tpu.memory_space<semaphore_mem>>) src(%dma_wait3A_115 : memref<64x128xf32, #tpu.memory_space<hbm>>) dst(%arg5 : memref<64x128xf32, #tpu.memory_space<vmem>>)
      %gt3A_116 = arith.constant 0 : i32
      %gt3A_117 = arith.cmpi sgt, %while3A_98, %gt3A_116 : i32
      %convert_element_type3A_118 = arith.extui %gt3A_117 : i1 to i32
      %cond3A_119 = arith.constant 0 : i32
      %cond3A_120 = arith.cmpi ne, %convert_element_type3A_118, %cond3A_119 : i32
      scf.if %cond3A_120 {
        %mul3A_150 = arith.constant 64 : i32
        %mul3A_151 = arith.muli %add3A_102, %mul3A_150 : i32
        %dma_wait3A_152 = arith.constant 0 : i32
        %dma_wait3A_153 = arith.constant 0 : i32
        %dma_wait3A_154 = tpu.memref_slice %arg7[%dma_wait3A_152, %dma_wait3A_153] : memref<64x129xf32, #tpu.memory_space<vmem>> -> memref<64x128xf32, #tpu.memory_space<vmem>>
        %dma_wait3A_155 = arith.constant 0 : i32
        %dma_wait3A_156 = tpu.memref_slice %arg4[%mul3A_151, %dma_wait3A_155] : memref<500032x128xf32, #tpu.memory_space<hbm>> -> memref<64x128xf32, #tpu.memory_space<hbm>>
        %dma_wait3A_157 = arith.constant 0 : i32
        %dma_wait3A_158 = tpu.memref_slice %arg4[%mul3A_151, %dma_wait3A_157] : memref<500032x128xf32, #tpu.memory_space<hbm>> -> memref<64x128xf32, #tpu.memory_space<hbm>>
        %dma_wait3A_159 = arith.constant 0 : i32
        %dma_wait3A_160 = arith.constant 0 : i32
        %dma_wait3A_161 = tpu.memref_slice %arg7[%dma_wait3A_159, %dma_wait3A_160] : memref<64x129xf32, #tpu.memory_space<vmem>> -> memref<64x128xf32, #tpu.memory_space<vmem>>
        tpu.wait_dma2 semaphore(%arg11 : memref<!tpu.dma_semaphore, #tpu.memory_space<semaphore_mem>>) src(%dma_wait3A_161 : memref<64x128xf32, #tpu.memory_space<vmem>>) dst(%dma_wait3A_158 : memref<64x128xf32, #tpu.memory_space<hbm>>)
      } else {
      }
      %scan3A = arith.constant 0 : i32
      %scan3A_121 = arith.constant 0 : i32
      %scan3A_122 = arith.constant 64 : i32
      %scan3A_123 = arith.addi %scan3A_121, %scan3A_122 : i32
      %scan3A_124 = arith.constant 1 : i32
      %scan3A_125 = scf.for %scan3A_150 = %scan3A_121 to %scan3A_123 step %scan3A_124 iter_args(%scan3A_151 = %scan3A) -> (i32)  : i32 {
        %add3A_152 = vector.broadcast %scan3A_150 : i32 to vector<16xi32>
        %add3A_153 = arith.addi %shift_left3A_60, %add3A_152 : vector<16xi32>
        %get3A = arith.index_cast %scan3A_150 : i32 to index
        %get3A_154 = arith.constant 0 : index
        %get3A_155 = tpu.vector_load %arg5[%get3A, %get3A_154] {strides = array<i32>} : memref<64x128xf32, #tpu.memory_space<vmem>>, vector<16xf32>,
        tpu.vector_store_idx %arg7[%add3A_14, %add3A_153], %get3A_155 : memref<64x129xf32, #tpu.memory_space<vmem>>[vector<16xi32>, vector<16xi32>], vector<16xf32>,
        %get3A_156 = arith.index_cast %scan3A_150 : i32 to index
        %get3A_157 = arith.constant 16 : index
        %get3A_158 = tpu.vector_load %arg5[%get3A_156, %get3A_157] {strides = array<i32>} : memref<64x128xf32, #tpu.memory_space<vmem>>, vector<16xf32>,
        tpu.vector_store_idx %arg7[%add3A_20, %add3A_153], %get3A_158 : memref<64x129xf32, #tpu.memory_space<vmem>>[vector<16xi32>, vector<16xi32>], vector<16xf32>,
        %get3A_159 = arith.index_cast %scan3A_150 : i32 to index
        %get3A_160 = arith.constant 32 : index
        %get3A_161 = tpu.vector_load %arg5[%get3A_159, %get3A_160] {strides = array<i32>} : memref<64x128xf32, #tpu.memory_space<vmem>>, vector<16xf32>,
        tpu.vector_store_idx %arg7[%add3A_26, %add3A_153], %get3A_161 : memref<64x129xf32, #tpu.memory_space<vmem>>[vector<16xi32>, vector<16xi32>], vector<16xf32>,
        %get3A_162 = arith.index_cast %scan3A_150 : i32 to index
        %get3A_163 = arith.constant 48 : index
        %get3A_164 = tpu.vector_load %arg5[%get3A_162, %get3A_163] {strides = array<i32>} : memref<64x128xf32, #tpu.memory_space<vmem>>, vector<16xf32>,
        tpu.vector_store_idx %arg7[%add3A_32, %add3A_153], %get3A_164 : memref<64x129xf32, #tpu.memory_space<vmem>>[vector<16xi32>, vector<16xi32>], vector<16xf32>,
        %get3A_165 = arith.index_cast %scan3A_150 : i32 to index
        %get3A_166 = arith.constant 64 : index
        %get3A_167 = tpu.vector_load %arg5[%get3A_165, %get3A_166] {strides = array<i32>} : memref<64x128xf32, #tpu.memory_space<vmem>>, vector<16xf32>,
        tpu.vector_store_idx %arg7[%add3A_38, %add3A_153], %get3A_167 : memref<64x129xf32, #tpu.memory_space<vmem>>[vector<16xi32>, vector<16xi32>], vector<16xf32>,
        %get3A_168 = arith.index_cast %scan3A_150 : i32 to index
        %get3A_169 = arith.constant 80 : index
        %get3A_170 = tpu.vector_load %arg5[%get3A_168, %get3A_169] {strides = array<i32>} : memref<64x128xf32, #tpu.memory_space<vmem>>, vector<16xf32>,
        tpu.vector_store_idx %arg7[%add3A_44, %add3A_153], %get3A_170 : memref<64x129xf32, #tpu.memory_space<vmem>>[vector<16xi32>, vector<16xi32>], vector<16xf32>,
        %get3A_171 = arith.index_cast %scan3A_150 : i32 to index
        %get3A_172 = arith.constant 96 : index
        %get3A_173 = tpu.vector_load %arg5[%get3A_171, %get3A_172] {strides = array<i32>} : memref<64x128xf32, #tpu.memory_space<vmem>>, vector<16xf32>,
        tpu.vector_store_idx %arg7[%add3A_50, %add3A_153], %get3A_173 : memref<64x129xf32, #tpu.memory_space<vmem>>[vector<16xi32>, vector<16xi32>], vector<16xf32>,
        %get3A_174 = arith.index_cast %scan3A_150 : i32 to index
        %get3A_175 = arith.constant 112 : index
        %get3A_176 = tpu.vector_load %arg5[%get3A_174, %get3A_175] {strides = array<i32>} : memref<64x128xf32, #tpu.memory_space<vmem>>, vector<16xf32>,
        tpu.vector_store_idx %arg7[%add3A_56, %add3A_153], %get3A_176 : memref<64x129xf32, #tpu.memory_space<vmem>>[vector<16xi32>, vector<16xi32>], vector<16xf32>,
        %scan3A_177 = arith.constant 0 : i32
        scf.yield %scan3A_177 : i32
      }
      %scan3A_126 = arith.constant 64 : i32
      %mul3A_127 = arith.constant 64 : i32
      %mul3A_128 = arith.muli %add3A_102, %mul3A_127 : i32
      %dma_start3A_129 = arith.constant 0 : i32
      %dma_start3A_130 = arith.constant 0 : i32
      %dma_start3A_131 = tpu.memref_slice %arg7[%dma_start3A_129, %dma_start3A_130] : memref<64x129xf32, #tpu.memory_space<vmem>> -> memref<64x128xf32, #tpu.memory_space<vmem>>
      %dma_start3A_132 = arith.constant 0 : i32
      %dma_start3A_133 = tpu.memref_slice %arg4[%mul3A_128, %dma_start3A_132] : memref<500032x128xf32, #tpu.memory_space<hbm>> -> memref<64x128xf32, #tpu.memory_space<hbm>>
      %dma_start3A_134 = arith.constant 0 : i32
      %dma_start3A_135 = tpu.memref_slice %arg4[%mul3A_128, %dma_start3A_134] : memref<500032x128xf32, #tpu.memory_space<hbm>> -> memref<64x128xf32, #tpu.memory_space<hbm>>
      %dma_start3A_136 = arith.constant 0 : i32
      %dma_start3A_137 = arith.constant 0 : i32
      %dma_start3A_138 = tpu.memref_slice %arg7[%dma_start3A_136, %dma_start3A_137] : memref<64x129xf32, #tpu.memory_space<vmem>> -> memref<64x128xf32, #tpu.memory_space<vmem>>
      tpu.enqueue_dma source(%dma_start3A_138 : memref<64x128xf32, #tpu.memory_space<vmem>>) target(%dma_start3A_135 : memref<64x128xf32, #tpu.memory_space<hbm>>) target_semaphore(%arg11 : memref<!tpu.dma_semaphore, #tpu.memory_space<semaphore_mem>>)
      %add3A_139 = arith.constant 2 : i32
      %add3A_140 = arith.addi %add3A_102, %add3A_139 : i32
      %add3A_141 = arith.addi %add3A_4, %select_n3A_9 : i32
      %lt3A_142 = arith.cmpi slt, %add3A_140, %add3A_141 : i32
      %convert_element_type3A_143 = arith.extui %lt3A_142 : i1 to i32
      %cond3A_144 = arith.constant 0 : i32
      %cond3A_145 = arith.cmpi ne, %convert_element_type3A_143, %cond3A_144 : i32
      scf.if %cond3A_145 {
        %add3A_150 = arith.constant 2 : i32
        %add3A_151 = arith.addi %add3A_102, %add3A_150 : i32
        %mul3A_152 = arith.constant 128 : i32
        %mul3A_153 = arith.muli %add3A_151, %mul3A_152 : i32
        %dma_start3A_154 = arith.constant 0 : i32
        %dma_start3A_155 = tpu.memref_slice %arg2[%dma_start3A_154, %mul3A_153] : memref<64x1000000xf32, #tpu.memory_space<hbm>> -> memref<64x128xf32, #tpu.memory_space<hbm>>
        %dma_start3A_156 = arith.constant 0 : i32
        %dma_start3A_157 = tpu.memref_slice %arg2[%dma_start3A_156, %mul3A_153] : memref<64x1000000xf32, #tpu.memory_space<hbm>> -> memref<64x128xf32, #tpu.memory_space<hbm>>
        tpu.enqueue_dma source(%dma_start3A_157 : memref<64x128xf32, #tpu.memory_space<hbm>>) target(%arg5 : memref<64x128xf32, #tpu.memory_space<vmem>>) target_semaphore(%arg9 : memref<!tpu.dma_semaphore, #tpu.memory_space<semaphore_mem>>)
      } else {
      }
      %convert_element_type3A_146 = arith.extui %lt3A_106 : i1 to i32
      %cond3A_147 = arith.constant 0 : i32
      %cond3A_148 = arith.cmpi ne, %convert_element_type3A_146, %cond3A_147 : i32
      scf.if %cond3A_148 {
        %add3A_150 = arith.constant 1 : i32
        %add3A_151 = arith.addi %add3A_102, %add3A_150 : i32
        %mul3A_152 = arith.constant 128 : i32
        %mul3A_153 = arith.muli %add3A_151, %mul3A_152 : i32
        %dma_wait3A_154 = arith.constant 0 : i32
        %dma_wait3A_155 = tpu.memref_slice %arg2[%dma_wait3A_154, %mul3A_153] : memref<64x1000000xf32, #tpu.memory_space<hbm>> -> memref<64x128xf32, #tpu.memory_space<hbm>>
        %dma_wait3A_156 = arith.constant 0 : i32
        %dma_wait3A_157 = tpu.memref_slice %arg2[%dma_wait3A_156, %mul3A_153] : memref<64x1000000xf32, #tpu.memory_space<hbm>> -> memref<64x128xf32, #tpu.memory_space<hbm>>
        tpu.wait_dma2 semaphore(%arg10 : memref<!tpu.dma_semaphore, #tpu.memory_space<semaphore_mem>>) src(%dma_wait3A_157 : memref<64x128xf32, #tpu.memory_space<hbm>>) dst(%arg6 : memref<64x128xf32, #tpu.memory_space<vmem>>)
        %gt3A_158 = arith.constant 0 : i32
        %gt3A_159 = arith.cmpi sgt, %while3A_98, %gt3A_158 : i32
        %convert_element_type3A_160 = arith.extui %gt3A_159 : i1 to i32
        %cond3A_161 = arith.constant 0 : i32
        %cond3A_162 = arith.cmpi ne, %convert_element_type3A_160, %cond3A_161 : i32
        scf.if %cond3A_162 {
          %mul3A_184 = arith.constant 64 : i32
          %mul3A_185 = arith.muli %add3A_102, %mul3A_184 : i32
          %dma_wait3A_186 = arith.constant 0 : i32
          %dma_wait3A_187 = arith.constant 0 : i32
          %dma_wait3A_188 = tpu.memref_slice %arg8[%dma_wait3A_186, %dma_wait3A_187] : memref<64x129xf32, #tpu.memory_space<vmem>> -> memref<64x128xf32, #tpu.memory_space<vmem>>
          %dma_wait3A_189 = arith.constant 0 : i32
          %dma_wait3A_190 = tpu.memref_slice %arg4[%mul3A_185, %dma_wait3A_189] : memref<500032x128xf32, #tpu.memory_space<hbm>> -> memref<64x128xf32, #tpu.memory_space<hbm>>
          %dma_wait3A_191 = arith.constant 0 : i32
          %dma_wait3A_192 = tpu.memref_slice %arg4[%mul3A_185, %dma_wait3A_191] : memref<500032x128xf32, #tpu.memory_space<hbm>> -> memref<64x128xf32, #tpu.memory_space<hbm>>
          %dma_wait3A_193 = arith.constant 0 : i32
          %dma_wait3A_194 = arith.constant 0 : i32
          %dma_wait3A_195 = tpu.memref_slice %arg8[%dma_wait3A_193, %dma_wait3A_194] : memref<64x129xf32, #tpu.memory_space<vmem>> -> memref<64x128xf32, #tpu.memory_space<vmem>>
          tpu.wait_dma2 semaphore(%arg12 : memref<!tpu.dma_semaphore, #tpu.memory_space<semaphore_mem>>) src(%dma_wait3A_195 : memref<64x128xf32, #tpu.memory_space<vmem>>) dst(%dma_wait3A_192 : memref<64x128xf32, #tpu.memory_space<hbm>>)
        } else {
        }
        %scan3A_163 = arith.constant 0 : i32
        %scan3A_164 = arith.constant 0 : i32
        %scan3A_165 = arith.constant 64 : i32
        %scan3A_166 = arith.addi %scan3A_164, %scan3A_165 : i32
        %scan3A_167 = arith.constant 1 : i32
        %scan3A_168 = scf.for %scan3A_184 = %scan3A_164 to %scan3A_166 step %scan3A_167 iter_args(%scan3A_185 = %scan3A_163) -> (i32)  : i32 {
          %add3A_186 = vector.broadcast %scan3A_184 : i32 to vector<16xi32>
          %add3A_187 = arith.addi %shift_left3A_60, %add3A_186 : vector<16xi32>
          %get3A = arith.index_cast %scan3A_184 : i32 to index
          %get3A_188 = arith.constant 0 : index
          %get3A_189 = tpu.vector_load %arg6[%get3A, %get3A_188] {strides = array<i32>} : memref<64x128xf32, #tpu.memory_space<vmem>>, vector<16xf32>,
          tpu.vector_store_idx %arg8[%add3A_14, %add3A_187], %get3A_189 : memref<64x129xf32, #tpu.memory_space<vmem>>[vector<16xi32>, vector<16xi32>], vector<16xf32>,
          %get3A_190 = arith.index_cast %scan3A_184 : i32 to index
          %get3A_191 = arith.constant 16 : index
          %get3A_192 = tpu.vector_load %arg6[%get3A_190, %get3A_191] {strides = array<i32>} : memref<64x128xf32, #tpu.memory_space<vmem>>, vector<16xf32>,
          tpu.vector_store_idx %arg8[%add3A_20, %add3A_187], %get3A_192 : memref<64x129xf32, #tpu.memory_space<vmem>>[vector<16xi32>, vector<16xi32>], vector<16xf32>,
          %get3A_193 = arith.index_cast %scan3A_184 : i32 to index
          %get3A_194 = arith.constant 32 : index
          %get3A_195 = tpu.vector_load %arg6[%get3A_193, %get3A_194] {strides = array<i32>} : memref<64x128xf32, #tpu.memory_space<vmem>>, vector<16xf32>,
          tpu.vector_store_idx %arg8[%add3A_26, %add3A_187], %get3A_195 : memref<64x129xf32, #tpu.memory_space<vmem>>[vector<16xi32>, vector<16xi32>], vector<16xf32>,
          %get3A_196 = arith.index_cast %scan3A_184 : i32 to index
          %get3A_197 = arith.constant 48 : index
          %get3A_198 = tpu.vector_load %arg6[%get3A_196, %get3A_197] {strides = array<i32>} : memref<64x128xf32, #tpu.memory_space<vmem>>, vector<16xf32>,
          tpu.vector_store_idx %arg8[%add3A_32, %add3A_187], %get3A_198 : memref<64x129xf32, #tpu.memory_space<vmem>>[vector<16xi32>, vector<16xi32>], vector<16xf32>,
          %get3A_199 = arith.index_cast %scan3A_184 : i32 to index
          %get3A_200 = arith.constant 64 : index
          %get3A_201 = tpu.vector_load %arg6[%get3A_199, %get3A_200] {strides = array<i32>} : memref<64x128xf32, #tpu.memory_space<vmem>>, vector<16xf32>,
          tpu.vector_store_idx %arg8[%add3A_38, %add3A_187], %get3A_201 : memref<64x129xf32, #tpu.memory_space<vmem>>[vector<16xi32>, vector<16xi32>], vector<16xf32>,
          %get3A_202 = arith.index_cast %scan3A_184 : i32 to index
          %get3A_203 = arith.constant 80 : index
          %get3A_204 = tpu.vector_load %arg6[%get3A_202, %get3A_203] {strides = array<i32>} : memref<64x128xf32, #tpu.memory_space<vmem>>, vector<16xf32>,
          tpu.vector_store_idx %arg8[%add3A_44, %add3A_187], %get3A_204 : memref<64x129xf32, #tpu.memory_space<vmem>>[vector<16xi32>, vector<16xi32>], vector<16xf32>,
          %get3A_205 = arith.index_cast %scan3A_184 : i32 to index
          %get3A_206 = arith.constant 96 : index
          %get3A_207 = tpu.vector_load %arg6[%get3A_205, %get3A_206] {strides = array<i32>} : memref<64x128xf32, #tpu.memory_space<vmem>>, vector<16xf32>,
          tpu.vector_store_idx %arg8[%add3A_50, %add3A_187], %get3A_207 : memref<64x129xf32, #tpu.memory_space<vmem>>[vector<16xi32>, vector<16xi32>], vector<16xf32>,
          %get3A_208 = arith.index_cast %scan3A_184 : i32 to index
          %get3A_209 = arith.constant 112 : index
          %get3A_210 = tpu.vector_load %arg6[%get3A_208, %get3A_209] {strides = array<i32>} : memref<64x128xf32, #tpu.memory_space<vmem>>, vector<16xf32>,
          tpu.vector_store_idx %arg8[%add3A_56, %add3A_187], %get3A_210 : memref<64x129xf32, #tpu.memory_space<vmem>>[vector<16xi32>, vector<16xi32>], vector<16xf32>,
          %scan3A_211 = arith.constant 0 : i32
          scf.yield %scan3A_211 : i32
        }
        %scan3A_169 = arith.constant 64 : i32
        %add3A_170 = arith.constant 1 : i32
        %add3A_171 = arith.addi %add3A_102, %add3A_170 : i32
        %mul3A_172 = arith.constant 64 : i32
        %mul3A_173 = arith.muli %add3A_171, %mul3A_172 : i32
        %dma_start3A_174 = arith.constant 0 : i32
        %dma_start3A_175 = arith.constant 0 : i32
        %dma_start3A_176 = tpu.memref_slice %arg8[%dma_start3A_174, %dma_start3A_175] : memref<64x129xf32, #tpu.memory_space<vmem>> -> memref<64x128xf32, #tpu.memory_space<vmem>>
        %dma_start3A_177 = arith.constant 0 : i32
        %dma_start3A_178 = tpu.memref_slice %arg4[%mul3A_173, %dma_start3A_177] : memref<500032x128xf32, #tpu.memory_space<hbm>> -> memref<64x128xf32, #tpu.memory_space<hbm>>
        %dma_start3A_179 = arith.constant 0 : i32
        %dma_start3A_180 = tpu.memref_slice %arg4[%mul3A_173, %dma_start3A_179] : memref<500032x128xf32, #tpu.memory_space<hbm>> -> memref<64x128xf32, #tpu.memory_space<hbm>>
        %dma_start3A_181 = arith.constant 0 : i32
        %dma_start3A_182 = arith.constant 0 : i32
        %dma_start3A_183 = tpu.memref_slice %arg8[%dma_start3A_181, %dma_start3A_182] : memref<64x129xf32, #tpu.memory_space<vmem>> -> memref<64x128xf32, #tpu.memory_space<vmem>>
        tpu.enqueue_dma source(%dma_start3A_183 : memref<64x128xf32, #tpu.memory_space<vmem>>) target(%dma_start3A_180 : memref<64x128xf32, #tpu.memory_space<hbm>>) target_semaphore(%arg12 : memref<!tpu.dma_semaphore, #tpu.memory_space<semaphore_mem>>)
      } else {
      }
      %while3A_149 = arith.constant 0 : i32
      scf.yield %while3A_149 : i32
    }
    %mul3A_80 = arith.constant 64 : i32
    %mul3A_81 = arith.muli %add3A_4, %mul3A_80 : i32
    %dma_wait3A = arith.constant 0 : i32
    %dma_wait3A_82 = arith.constant 0 : i32
    %dma_wait3A_83 = tpu.memref_slice %arg7[%dma_wait3A, %dma_wait3A_82] : memref<64x129xf32, #tpu.memory_space<vmem>> -> memref<64x128xf32, #tpu.memory_space<vmem>>
    %dma_wait3A_84 = arith.constant 0 : i32
    %dma_wait3A_85 = tpu.memref_slice %arg4[%mul3A_81, %dma_wait3A_84] : memref<500032x128xf32, #tpu.memory_space<hbm>> -> memref<64x128xf32, #tpu.memory_space<hbm>>
    %dma_wait3A_86 = arith.constant 0 : i32
    %dma_wait3A_87 = tpu.memref_slice %arg4[%mul3A_81, %dma_wait3A_86] : memref<500032x128xf32, #tpu.memory_space<hbm>> -> memref<64x128xf32, #tpu.memory_space<hbm>>
    %dma_wait3A_88 = arith.constant 0 : i32
    %dma_wait3A_89 = arith.constant 0 : i32
    %dma_wait3A_90 = tpu.memref_slice %arg7[%dma_wait3A_88, %dma_wait3A_89] : memref<64x129xf32, #tpu.memory_space<vmem>> -> memref<64x128xf32, #tpu.memory_space<vmem>>
    tpu.wait_dma2 semaphore(%arg11 : memref<!tpu.dma_semaphore, #tpu.memory_space<semaphore_mem>>) src(%dma_wait3A_90 : memref<64x128xf32, #tpu.memory_space<vmem>>) dst(%dma_wait3A_87 : memref<64x128xf32, #tpu.memory_space<hbm>>)
    %gt3A = arith.constant 1 : i32
    %gt3A_91 = arith.cmpi sgt, %select_n3A_9, %gt3A : i32
    %convert_element_type3A = arith.extui %gt3A_91 : i1 to i32
    %cond3A = arith.constant 0 : i32
    %cond3A_92 = arith.cmpi ne, %convert_element_type3A, %cond3A : i32
    scf.if %cond3A_92 {
      %mul3A_98 = arith.constant 64 : i32
      %mul3A_99 = arith.muli %add3A_4, %mul3A_98 : i32
      %dma_wait3A_100 = arith.constant 0 : i32
      %dma_wait3A_101 = arith.constant 0 : i32
      %dma_wait3A_102 = tpu.memref_slice %arg8[%dma_wait3A_100, %dma_wait3A_101] : memref<64x129xf32, #tpu.memory_space<vmem>> -> memref<64x128xf32, #tpu.memory_space<vmem>>
      %dma_wait3A_103 = arith.constant 0 : i32
      %dma_wait3A_104 = tpu.memref_slice %arg4[%mul3A_99, %dma_wait3A_103] : memref<500032x128xf32, #tpu.memory_space<hbm>> -> memref<64x128xf32, #tpu.memory_space<hbm>>
      %dma_wait3A_105 = arith.constant 0 : i32
      %dma_wait3A_106 = tpu.memref_slice %arg4[%mul3A_99, %dma_wait3A_105] : memref<500032x128xf32, #tpu.memory_space<hbm>> -> memref<64x128xf32, #tpu.memory_space<hbm>>
      %dma_wait3A_107 = arith.constant 0 : i32
      %dma_wait3A_108 = arith.constant 0 : i32
      %dma_wait3A_109 = tpu.memref_slice %arg8[%dma_wait3A_107, %dma_wait3A_108] : memref<64x129xf32, #tpu.memory_space<vmem>> -> memref<64x128xf32, #tpu.memory_space<vmem>>
      tpu.wait_dma2 semaphore(%arg12 : memref<!tpu.dma_semaphore, #tpu.memory_space<semaphore_mem>>) src(%dma_wait3A_109 : memref<64x128xf32, #tpu.memory_space<vmem>>) dst(%dma_wait3A_106 : memref<64x128xf32, #tpu.memory_space<hbm>>)
    } else {
    }
    %eq3A_93 = arith.constant 31 : i32
    %eq3A_94 = arith.cmpi eq, %add3A, %eq3A_93 : i32
    %convert_element_type3A_95 = arith.extui %eq3A_94 : i1 to i32
    %cond3A_96 = arith.constant 0 : i32
    %cond3A_97 = arith.cmpi ne, %convert_element_type3A_95, %cond3A_96 : i32
    scf.if %cond3A_97 {
      "tpu.region"() ({
        %run_scoped3A = tpu.sem_alloc : memref<!tpu.dma_semaphore, #tpu.memory_space<semaphore_mem>>
        %dma_start3A_98 = arith.constant 0 : i32
        %dma_start3A_99 = arith.constant 0 : i32
        %dma_start3A_100 = tpu.memref_slice %arg5[%dma_start3A_98, %dma_start3A_99] : memref<64x128xf32, #tpu.memory_space<vmem>> -> memref<32x128xf32, #tpu.memory_space<vmem>>
        %dma_start3A_101 = arith.constant 0 : i32
        %dma_start3A_102 = arith.constant 0 : i32
        %dma_start3A_103 = tpu.memref_slice %arg5[%dma_start3A_101, %dma_start3A_102] : memref<64x128xf32, #tpu.memory_space<vmem>> -> memref<32x128xf32, #tpu.memory_space<vmem>>
        tpu.enqueue_dma source(%arg3 : memref<32x128xf32, #tpu.memory_space<hbm>>) target(%dma_start3A_103 : memref<32x128xf32, #tpu.memory_space<vmem>>) target_semaphore(%run_scoped3A : memref<!tpu.dma_semaphore, #tpu.memory_space<semaphore_mem>>)
        %dma_wait3A_104 = arith.constant 0 : i32
        %dma_wait3A_105 = arith.constant 0 : i32
        %dma_wait3A_106 = tpu.memref_slice %arg5[%dma_wait3A_104, %dma_wait3A_105] : memref<64x128xf32, #tpu.memory_space<vmem>> -> memref<32x128xf32, #tpu.memory_space<vmem>>
        %dma_wait3A_107 = arith.constant 0 : i32
        %dma_wait3A_108 = arith.constant 0 : i32
        %dma_wait3A_109 = tpu.memref_slice %arg5[%dma_wait3A_107, %dma_wait3A_108] : memref<64x128xf32, #tpu.memory_space<vmem>> -> memref<32x128xf32, #tpu.memory_space<vmem>>
        tpu.wait_dma2 semaphore(%run_scoped3A : memref<!tpu.dma_semaphore, #tpu.memory_space<semaphore_mem>>) src(%arg3 : memref<32x128xf32, #tpu.memory_space<hbm>>) dst(%dma_wait3A_109 : memref<32x128xf32, #tpu.memory_space<vmem>>)
        tpu.yield
      }) : () -> ()
      "tpu.region"() ({
        %run_scoped3A = tpu.sem_alloc : memref<!tpu.dma_semaphore, #tpu.memory_space<semaphore_mem>>
        %dma_start3A_98 = arith.constant 0 : i32
        %dma_start3A_99 = arith.constant 0 : i32
        %dma_start3A_100 = tpu.memref_slice %arg5[%dma_start3A_98, %dma_start3A_99] : memref<64x128xf32, #tpu.memory_space<vmem>> -> memref<32x128xf32, #tpu.memory_space<vmem>>
        %dma_start3A_101 = arith.constant 499968 : i32
        %dma_start3A_102 = arith.constant 0 : i32
        %dma_start3A_103 = tpu.memref_slice %arg4[%dma_start3A_101, %dma_start3A_102] : memref<500032x128xf32, #tpu.memory_space<hbm>> -> memref<32x128xf32, #tpu.memory_space<hbm>>
        %dma_start3A_104 = arith.constant 499968 : i32
        %dma_start3A_105 = arith.constant 0 : i32
        %dma_start3A_106 = tpu.memref_slice %arg4[%dma_start3A_104, %dma_start3A_105] : memref<500032x128xf32, #tpu.memory_space<hbm>> -> memref<32x128xf32, #tpu.memory_space<hbm>>
        %dma_start3A_107 = arith.constant 0 : i32
        %dma_start3A_108 = arith.constant 0 : i32
        %dma_start3A_109 = tpu.memref_slice %arg5[%dma_start3A_107, %dma_start3A_108] : memref<64x128xf32, #tpu.memory_space<vmem>> -> memref<32x128xf32, #tpu.memory_space<vmem>>
        tpu.enqueue_dma source(%dma_start3A_109 : memref<32x128xf32, #tpu.memory_space<vmem>>) target(%dma_start3A_106 : memref<32x128xf32, #tpu.memory_space<hbm>>) target_semaphore(%run_scoped3A : memref<!tpu.dma_semaphore, #tpu.memory_space<semaphore_mem>>)
        %dma_wait3A_110 = arith.constant 0 : i32
        %dma_wait3A_111 = arith.constant 0 : i32
        %dma_wait3A_112 = tpu.memref_slice %arg5[%dma_wait3A_110, %dma_wait3A_111] : memref<64x128xf32, #tpu.memory_space<vmem>> -> memref<32x128xf32, #tpu.memory_space<vmem>>
        %dma_wait3A_113 = arith.constant 499968 : i32
        %dma_wait3A_114 = arith.constant 0 : i32
        %dma_wait3A_115 = tpu.memref_slice %arg4[%dma_wait3A_113, %dma_wait3A_114] : memref<500032x128xf32, #tpu.memory_space<hbm>> -> memref<32x128xf32, #tpu.memory_space<hbm>>
        %dma_wait3A_116 = arith.constant 499968 : i32
        %dma_wait3A_117 = arith.constant 0 : i32
        %dma_wait3A_118 = tpu.memref_slice %arg4[%dma_wait3A_116, %dma_wait3A_117] : memref<500032x128xf32, #tpu.memory_space<hbm>> -> memref<32x128xf32, #tpu.memory_space<hbm>>
        %dma_wait3A_119 = arith.constant 0 : i32
        %dma_wait3A_120 = arith.constant 0 : i32
        %dma_wait3A_121 = tpu.memref_slice %arg5[%dma_wait3A_119, %dma_wait3A_120] : memref<64x128xf32, #tpu.memory_space<vmem>> -> memref<32x128xf32, #tpu.memory_space<vmem>>
        tpu.wait_dma2 semaphore(%run_scoped3A : memref<!tpu.dma_semaphore, #tpu.memory_space<semaphore_mem>>) src(%dma_wait3A_121 : memref<32x128xf32, #tpu.memory_space<vmem>>) dst(%dma_wait3A_118 : memref<32x128xf32, #tpu.memory_space<hbm>>)
        tpu.yield
      }) : () -> ()
    } else {
    }
    return
  }
}

#map = affine_map<(d0, d1) -> (0, 0)>
#map1 = affine_map<(d0, d1) -> (0, 0, 0, 0, 0)>
module attributes {stable_mosaic.version = 14 : i64} {
  func.func @_gather_body(%arg0: i32, %arg1: i32, %arg2: memref<200x4096xi32, #tpu.memory_space<hbm>>, %arg3: memref<1000064x64xf32, #tpu.memory_space<hbm>>, %arg4: memref<200x64xf32, #tpu.memory_space<hbm>>, %arg5: memref<200x8x32x8x128xf32, #tpu.memory_space<hbm>>, %arg6: memref<200x128xi32, #tpu.memory_space<vmem>>, %arg7: memref<200x64xf32, #tpu.memory_space<vmem>>, %arg8: memref<128x64xf32, #tpu.memory_space<vmem>>, %arg9: memref<128x64xf32, #tpu.memory_space<vmem>>, %arg10: memref<8x8x129xf32, #tpu.memory_space<vmem>>, %arg11: memref<8x8x129xf32, #tpu.memory_space<vmem>>, %arg12: memref<!tpu.dma_semaphore, #tpu.memory_space<semaphore_mem>>, %arg13: memref<!tpu.dma_semaphore, #tpu.memory_space<semaphore_mem>>, %arg14: memref<!tpu.dma_semaphore, #tpu.memory_space<semaphore_mem>>, %arg15: memref<!tpu.dma_semaphore, #tpu.memory_space<semaphore_mem>>) attributes {dimension_semantics = [#tpu.dimension_semantics<core_parallel>, #tpu.dimension_semantics<subcore_parallel>], iteration_bounds = array<i64: 2, 16>, scalar_prefetch = 0 : i64, scratch_operands = 10 : i64, tpu.core_type = #tpu.core_type<sc_vector_subcore>, window_params = [{transform_indices = #map}, {transform_indices = #map}, {transform_indices = #map}, {transform_indices = #map1}]} {
    %mul3A = arith.constant 2 : i32
    %mul3A_0 = arith.muli %arg1, %mul3A : i32
    %add3A = arith.addi %mul3A_0, %arg0 : i32
    %mul3A_1 = arith.constant 128 : i32
    %mul3A_2 = arith.muli %add3A, %mul3A_1 : i32
    "tpu.region"() ({
      %run_scoped3A = tpu.sem_alloc : memref<!tpu.dma_semaphore, #tpu.memory_space<semaphore_mem>>
      %dma_start3A_79 = arith.constant 0 : i32
      %dma_start3A_80 = tpu.memref_slice %arg2[%dma_start3A_79, %mul3A_2] : memref<200x4096xi32, #tpu.memory_space<hbm>> -> memref<200x128xi32, #tpu.memory_space<hbm>>
      %dma_start3A_81 = arith.constant 0 : i32
      %dma_start3A_82 = tpu.memref_slice %arg2[%dma_start3A_81, %mul3A_2] : memref<200x4096xi32, #tpu.memory_space<hbm>> -> memref<200x128xi32, #tpu.memory_space<hbm>>
      tpu.enqueue_dma source(%dma_start3A_82 : memref<200x128xi32, #tpu.memory_space<hbm>>) target(%arg6 : memref<200x128xi32, #tpu.memory_space<vmem>>) target_semaphore(%run_scoped3A : memref<!tpu.dma_semaphore, #tpu.memory_space<semaphore_mem>>)
      %dma_wait3A_83 = arith.constant 0 : i32
      %dma_wait3A_84 = tpu.memref_slice %arg2[%dma_wait3A_83, %mul3A_2] : memref<200x4096xi32, #tpu.memory_space<hbm>> -> memref<200x128xi32, #tpu.memory_space<hbm>>
      %dma_wait3A_85 = arith.constant 0 : i32
      %dma_wait3A_86 = tpu.memref_slice %arg2[%dma_wait3A_85, %mul3A_2] : memref<200x4096xi32, #tpu.memory_space<hbm>> -> memref<200x128xi32, #tpu.memory_space<hbm>>
      tpu.wait_dma2 semaphore(%run_scoped3A : memref<!tpu.dma_semaphore, #tpu.memory_space<semaphore_mem>>) src(%dma_wait3A_86 : memref<200x128xi32, #tpu.memory_space<hbm>>) dst(%arg6 : memref<200x128xi32, #tpu.memory_space<vmem>>)
      tpu.yield
    }) : () -> ()
    "tpu.region"() ({
      %run_scoped3A = tpu.sem_alloc : memref<!tpu.dma_semaphore, #tpu.memory_space<semaphore_mem>>
      tpu.enqueue_dma source(%arg4 : memref<200x64xf32, #tpu.memory_space<hbm>>) target(%arg7 : memref<200x64xf32, #tpu.memory_space<vmem>>) target_semaphore(%run_scoped3A : memref<!tpu.dma_semaphore, #tpu.memory_space<semaphore_mem>>)
      tpu.wait_dma2 semaphore(%run_scoped3A : memref<!tpu.dma_semaphore, #tpu.memory_space<semaphore_mem>>) src(%arg4 : memref<200x64xf32, #tpu.memory_space<hbm>>) dst(%arg7 : memref<200x64xf32, #tpu.memory_space<vmem>>)
      tpu.yield
    }) : () -> ()
    %iota3A = tpu.iota {dimensions = array<i32: 0>} : vector<16xi32>
    %add3A_3 = arith.constant 0 : i32
    %add3A_4 = vector.broadcast %add3A_3 : i32 to vector<16xi32>
    %add3A_5 = arith.addi %iota3A, %add3A_4 : vector<16xi32>
    %shift_right_logical3A = arith.constant 3 : i32
    %shift_right_logical3A_6 = vector.broadcast %shift_right_logical3A : i32 to vector<16xi32>
    %shift_right_logical3A_7 = arith.shrui %add3A_5, %shift_right_logical3A_6 : vector<16xi32>
    %add3A_8 = arith.constant 16 : i32
    %add3A_9 = vector.broadcast %add3A_8 : i32 to vector<16xi32>
    %add3A_10 = arith.addi %iota3A, %add3A_9 : vector<16xi32>
    %shift_right_logical3A_11 = arith.constant 3 : i32
    %shift_right_logical3A_12 = vector.broadcast %shift_right_logical3A_11 : i32 to vector<16xi32>
    %shift_right_logical3A_13 = arith.shrui %add3A_10, %shift_right_logical3A_12 : vector<16xi32>
    %add3A_14 = arith.constant 32 : i32
    %add3A_15 = vector.broadcast %add3A_14 : i32 to vector<16xi32>
    %add3A_16 = arith.addi %iota3A, %add3A_15 : vector<16xi32>
    %shift_right_logical3A_17 = arith.constant 3 : i32
    %shift_right_logical3A_18 = vector.broadcast %shift_right_logical3A_17 : i32 to vector<16xi32>
    %shift_right_logical3A_19 = arith.shrui %add3A_16, %shift_right_logical3A_18 : vector<16xi32>
    %add3A_20 = arith.constant 48 : i32
    %add3A_21 = vector.broadcast %add3A_20 : i32 to vector<16xi32>
    %add3A_22 = arith.addi %iota3A, %add3A_21 : vector<16xi32>
    %shift_right_logical3A_23 = arith.constant 3 : i32
    %shift_right_logical3A_24 = vector.broadcast %shift_right_logical3A_23 : i32 to vector<16xi32>
    %shift_right_logical3A_25 = arith.shrui %add3A_22, %shift_right_logical3A_24 : vector<16xi32>
    %add3A_26 = arith.constant 0 : i32
    %add3A_27 = vector.broadcast %add3A_26 : i32 to vector<16xi32>
    %add3A_28 = arith.addi %iota3A, %add3A_27 : vector<16xi32>
    %and3A = arith.constant 7 : i32
    %and3A_29 = vector.broadcast %and3A : i32 to vector<16xi32>
    %and3A_30 = arith.andi %add3A_28, %and3A_29 : vector<16xi32>
    %add3A_31 = arith.constant 16 : i32
    %add3A_32 = vector.broadcast %add3A_31 : i32 to vector<16xi32>
    %add3A_33 = arith.addi %iota3A, %add3A_32 : vector<16xi32>
    %and3A_34 = arith.constant 7 : i32
    %and3A_35 = vector.broadcast %and3A_34 : i32 to vector<16xi32>
    %and3A_36 = arith.andi %add3A_33, %and3A_35 : vector<16xi32>
    %add3A_37 = arith.constant 32 : i32
    %add3A_38 = vector.broadcast %add3A_37 : i32 to vector<16xi32>
    %add3A_39 = arith.addi %iota3A, %add3A_38 : vector<16xi32>
    %and3A_40 = arith.constant 7 : i32
    %and3A_41 = vector.broadcast %and3A_40 : i32 to vector<16xi32>
    %and3A_42 = arith.andi %add3A_39, %and3A_41 : vector<16xi32>
    %add3A_43 = arith.constant 48 : i32
    %add3A_44 = vector.broadcast %add3A_43 : i32 to vector<16xi32>
    %add3A_45 = arith.addi %iota3A, %add3A_44 : vector<16xi32>
    %and3A_46 = arith.constant 7 : i32
    %and3A_47 = vector.broadcast %and3A_46 : i32 to vector<16xi32>
    %and3A_48 = arith.andi %add3A_45, %and3A_47 : vector<16xi32>
    %dma_start3A = arith.constant 0 : i32
    %dma_start3A_49 = arith.constant 0 : i32
    %dma_start3A_50 = tpu.memref_slice %arg6[%dma_start3A, %dma_start3A_49] : memref<200x128xi32, #tpu.memory_space<vmem>> -> memref<1x128xi32, #tpu.memory_space<vmem>>
    %dma_start3A_51 = tpu.memref_squeeze %dma_start3A_50 : memref<1x128xi32, #tpu.memory_space<vmem>> -> memref<128xi32, #tpu.memory_space<vmem>>
    %dma_start3A_52 = arith.constant 0 : i32
    %dma_start3A_53 = arith.constant 0 : i32
    %dma_start3A_54 = tpu.memref_slice %arg3[%dma_start3A_52, %dma_start3A_53] : memref<1000064x64xf32, #tpu.memory_space<hbm>> -> memref<1000064x64xf32, #tpu.memory_space<hbm>>
    tpu.enqueue_indirect_dma source(%dma_start3A_54 : memref<1000064x64xf32, #tpu.memory_space<hbm>>) target(%arg8 : memref<128x64xf32, #tpu.memory_space<vmem>>) offsets(%dma_start3A_51 : memref<128xi32, #tpu.memory_space<vmem>>) semaphore(%arg12 : memref<!tpu.dma_semaphore, #tpu.memory_space<semaphore_mem>>)
    %scan3A = arith.constant 0 : i32
    %scan3A_55 = arith.constant 0 : i32
    %scan3A_56 = arith.constant 100 : i32
    %scan3A_57 = arith.addi %scan3A_55, %scan3A_56 : i32
    %scan3A_58 = arith.constant 1 : i32
    %scan3A_59 = scf.for %scan3A_79 = %scan3A_55 to %scan3A_57 step %scan3A_58 iter_args(%scan3A_80 = %scan3A) -> (i32)  : i32 {
      %mul3A_81 = arith.constant 2 : i32
      %mul3A_82 = arith.muli %mul3A_81, %scan3A_79 : i32
      %add3A_83 = arith.constant 1 : i32
      %add3A_84 = arith.addi %mul3A_82, %add3A_83 : i32
      %dma_start3A_85 = arith.constant 0 : i32
      %dma_start3A_86 = tpu.memref_slice %arg6[%add3A_84, %dma_start3A_85] : memref<200x128xi32, #tpu.memory_space<vmem>> -> memref<1x128xi32, #tpu.memory_space<vmem>>
      %dma_start3A_87 = tpu.memref_squeeze %dma_start3A_86 : memref<1x128xi32, #tpu.memory_space<vmem>> -> memref<128xi32, #tpu.memory_space<vmem>>
      %dma_start3A_88 = arith.constant 0 : i32
      %dma_start3A_89 = arith.constant 0 : i32
      %dma_start3A_90 = tpu.memref_slice %arg3[%dma_start3A_88, %dma_start3A_89] : memref<1000064x64xf32, #tpu.memory_space<hbm>> -> memref<1000064x64xf32, #tpu.memory_space<hbm>>
      tpu.enqueue_indirect_dma source(%dma_start3A_90 : memref<1000064x64xf32, #tpu.memory_space<hbm>>) target(%arg9 : memref<128x64xf32, #tpu.memory_space<vmem>>) offsets(%dma_start3A_87 : memref<128xi32, #tpu.memory_space<vmem>>) semaphore(%arg13 : memref<!tpu.dma_semaphore, #tpu.memory_space<semaphore_mem>>)
      %dma_wait3A_91 = arith.constant 0 : i32
      %dma_wait3A_92 = tpu.memref_slice %arg6[%mul3A_82, %dma_wait3A_91] : memref<200x128xi32, #tpu.memory_space<vmem>> -> memref<1x128xi32, #tpu.memory_space<vmem>>
      %dma_wait3A_93 = tpu.memref_squeeze %dma_wait3A_92 : memref<1x128xi32, #tpu.memory_space<vmem>> -> memref<128xi32, #tpu.memory_space<vmem>>
      %dma_wait3A_94 = arith.constant 0 : i32
      %dma_wait3A_95 = arith.constant 0 : i32
      %dma_wait3A_96 = tpu.memref_slice %arg3[%dma_wait3A_94, %dma_wait3A_95] : memref<1000064x64xf32, #tpu.memory_space<hbm>> -> memref<1000064x64xf32, #tpu.memory_space<hbm>>
      tpu.wait_indirect_dma semaphore(%arg12 : memref<!tpu.dma_semaphore, #tpu.memory_space<semaphore_mem>>) src(%dma_wait3A_96 : memref<1000064x64xf32, #tpu.memory_space<hbm>>) dst(%arg8 : memref<128x64xf32, #tpu.memory_space<vmem>>)
      %get3A = arith.index_cast %mul3A_82 : i32 to index
      %get3A_97 = arith.constant 0 : index
      %get3A_98 = tpu.vector_load %arg7[%get3A, %get3A_97] {strides = array<i32>} : memref<200x64xf32, #tpu.memory_space<vmem>>, vector<16xf32>,
      %get3A_99 = arith.index_cast %mul3A_82 : i32 to index
      %get3A_100 = arith.constant 16 : index
      %get3A_101 = tpu.vector_load %arg7[%get3A_99, %get3A_100] {strides = array<i32>} : memref<200x64xf32, #tpu.memory_space<vmem>>, vector<16xf32>,
      %get3A_102 = arith.index_cast %mul3A_82 : i32 to index
      %get3A_103 = arith.constant 32 : index
      %get3A_104 = tpu.vector_load %arg7[%get3A_102, %get3A_103] {strides = array<i32>} : memref<200x64xf32, #tpu.memory_space<vmem>>, vector<16xf32>,
      %get3A_105 = arith.index_cast %mul3A_82 : i32 to index
      %get3A_106 = arith.constant 48 : index
      %get3A_107 = tpu.vector_load %arg7[%get3A_105, %get3A_106] {strides = array<i32>} : memref<200x64xf32, #tpu.memory_space<vmem>>, vector<16xf32>,
      %scan3A_108 = arith.constant 0 : i32
      %scan3A_109 = arith.constant 0 : i32
      %scan3A_110 = arith.constant 128 : i32
      %scan3A_111 = arith.addi %scan3A_109, %scan3A_110 : i32
      %scan3A_112 = arith.constant 1 : i32
      %scan3A_113 = scf.for %scan3A_207 = %scan3A_109 to %scan3A_111 step %scan3A_112 iter_args(%scan3A_208 = %scan3A_108) -> (i32)  : i32 {
        %broadcast_in_dim3A = arith.constant 0 : i32
        %broadcast_in_dim3A_209 = vector.broadcast %broadcast_in_dim3A : i32 to vector<16xi32>
        %add3A_210 = vector.broadcast %scan3A_207 : i32 to vector<16xi32>
        %add3A_211 = arith.addi %broadcast_in_dim3A_209, %add3A_210 : vector<16xi32>
        %get3A_212 = arith.index_cast %scan3A_207 : i32 to index
        %get3A_213 = arith.constant 0 : index
        %get3A_214 = tpu.vector_load %arg8[%get3A_212, %get3A_213] {strides = array<i32>} : memref<128x64xf32, #tpu.memory_space<vmem>>, vector<16xf32>,
        %add3A_215 = arith.addf %get3A_214, %get3A_98 : vector<16xf32>
        tpu.vector_store_idx %arg10[%shift_right_logical3A_7, %and3A_30, %add3A_211], %add3A_215 : memref<8x8x129xf32, #tpu.memory_space<vmem>>[vector<16xi32>, vector<16xi32>, vector<16xi32>], vector<16xf32>,
        %get3A_216 = arith.index_cast %scan3A_207 : i32 to index
        %get3A_217 = arith.constant 16 : index
        %get3A_218 = tpu.vector_load %arg8[%get3A_216, %get3A_217] {strides = array<i32>} : memref<128x64xf32, #tpu.memory_space<vmem>>, vector<16xf32>,
        %add3A_219 = arith.addf %get3A_218, %get3A_101 : vector<16xf32>
        tpu.vector_store_idx %arg10[%shift_right_logical3A_13, %and3A_36, %add3A_211], %add3A_219 : memref<8x8x129xf32, #tpu.memory_space<vmem>>[vector<16xi32>, vector<16xi32>, vector<16xi32>], vector<16xf32>,
        %get3A_220 = arith.index_cast %scan3A_207 : i32 to index
        %get3A_221 = arith.constant 32 : index
        %get3A_222 = tpu.vector_load %arg8[%get3A_220, %get3A_221] {strides = array<i32>} : memref<128x64xf32, #tpu.memory_space<vmem>>, vector<16xf32>,
        %add3A_223 = arith.addf %get3A_222, %get3A_104 : vector<16xf32>
        tpu.vector_store_idx %arg10[%shift_right_logical3A_19, %and3A_42, %add3A_211], %add3A_223 : memref<8x8x129xf32, #tpu.memory_space<vmem>>[vector<16xi32>, vector<16xi32>, vector<16xi32>], vector<16xf32>,
        %get3A_224 = arith.index_cast %scan3A_207 : i32 to index
        %get3A_225 = arith.constant 48 : index
        %get3A_226 = tpu.vector_load %arg8[%get3A_224, %get3A_225] {strides = array<i32>} : memref<128x64xf32, #tpu.memory_space<vmem>>, vector<16xf32>,
        %add3A_227 = arith.addf %get3A_226, %get3A_107 : vector<16xf32>
        tpu.vector_store_idx %arg10[%shift_right_logical3A_25, %and3A_48, %add3A_211], %add3A_227 : memref<8x8x129xf32, #tpu.memory_space<vmem>>[vector<16xi32>, vector<16xi32>, vector<16xi32>], vector<16xf32>,
        %scan3A_228 = arith.constant 0 : i32
        scf.yield %scan3A_228 : i32
      }
      %scan3A_114 = arith.constant 128 : i32
      %gt3A = arith.constant 0 : i32
      %gt3A_115 = arith.cmpi sgt, %scan3A_79, %gt3A : i32
      %convert_element_type3A = arith.extui %gt3A_115 : i1 to i32
      %cond3A = arith.constant 0 : i32
      %cond3A_116 = arith.cmpi ne, %convert_element_type3A, %cond3A : i32
      scf.if %cond3A_116 {
        %sub3A = arith.constant 1 : i32
        %sub3A_207 = arith.subi %mul3A_82, %sub3A : i32
        %dma_wait3A_208 = arith.constant 0 : i32
        %dma_wait3A_209 = arith.constant 0 : i32
        %dma_wait3A_210 = arith.constant 0 : i32
        %dma_wait3A_211 = tpu.memref_slice %arg11[%dma_wait3A_208, %dma_wait3A_209, %dma_wait3A_210] : memref<8x8x129xf32, #tpu.memory_space<vmem>> -> memref<8x8x128xf32, #tpu.memory_space<vmem>>
        %dma_wait3A_212 = arith.constant 0 : i32
        %dma_wait3A_213 = arith.constant 0 : i32
        %dma_wait3A_214 = arith.constant 0 : i32
        %dma_wait3A_215 = tpu.memref_slice %arg5[%sub3A_207, %dma_wait3A_212, %add3A, %dma_wait3A_213, %dma_wait3A_214] : memref<200x8x32x8x128xf32, #tpu.memory_space<hbm>> -> memref<1x8x1x8x128xf32, #tpu.memory_space<hbm>>
        %dma_wait3A_216 = tpu.memref_squeeze %dma_wait3A_215 : memref<1x8x1x8x128xf32, #tpu.memory_space<hbm>> -> memref<8x8x128xf32, #tpu.memory_space<hbm>>
        %dma_wait3A_217 = arith.constant 0 : i32
        %dma_wait3A_218 = arith.constant 0 : i32
        %dma_wait3A_219 = arith.constant 0 : i32
        %dma_wait3A_220 = tpu.memref_slice %arg5[%sub3A_207, %dma_wait3A_217, %add3A, %dma_wait3A_218, %dma_wait3A_219] : memref<200x8x32x8x128xf32, #tpu.memory_space<hbm>> -> memref<1x8x1x8x128xf32, #tpu.memory_space<hbm>>
        %dma_wait3A_221 = tpu.memref_squeeze %dma_wait3A_220 : memref<1x8x1x8x128xf32, #tpu.memory_space<hbm>> -> memref<8x8x128xf32, #tpu.memory_space<hbm>>
        %dma_wait3A_222 = arith.constant 0 : i32
        %dma_wait3A_223 = arith.constant 0 : i32
        %dma_wait3A_224 = arith.constant 0 : i32
        %dma_wait3A_225 = tpu.memref_slice %arg11[%dma_wait3A_222, %dma_wait3A_223, %dma_wait3A_224] : memref<8x8x129xf32, #tpu.memory_space<vmem>> -> memref<8x8x128xf32, #tpu.memory_space<vmem>>
        tpu.wait_dma2 semaphore(%arg15 : memref<!tpu.dma_semaphore, #tpu.memory_space<semaphore_mem>>) src(%dma_wait3A_225 : memref<8x8x128xf32, #tpu.memory_space<vmem>>) dst(%dma_wait3A_221 : memref<8x8x128xf32, #tpu.memory_space<hbm>>)
      } else {
      }
      %dma_start3A_117 = arith.constant 0 : i32
      %dma_start3A_118 = arith.constant 0 : i32
      %dma_start3A_119 = arith.constant 0 : i32
      %dma_start3A_120 = tpu.memref_slice %arg10[%dma_start3A_117, %dma_start3A_118, %dma_start3A_119] : memref<8x8x129xf32, #tpu.memory_space<vmem>> -> memref<8x8x128xf32, #tpu.memory_space<vmem>>
      %dma_start3A_121 = arith.constant 0 : i32
      %dma_start3A_122 = arith.constant 0 : i32
      %dma_start3A_123 = arith.constant 0 : i32
      %dma_start3A_124 = tpu.memref_slice %arg5[%mul3A_82, %dma_start3A_121, %add3A, %dma_start3A_122, %dma_start3A_123] : memref<200x8x32x8x128xf32, #tpu.memory_space<hbm>> -> memref<1x8x1x8x128xf32, #tpu.memory_space<hbm>>
      %dma_start3A_125 = tpu.memref_squeeze %dma_start3A_124 : memref<1x8x1x8x128xf32, #tpu.memory_space<hbm>> -> memref<8x8x128xf32, #tpu.memory_space<hbm>>
      %dma_start3A_126 = arith.constant 0 : i32
      %dma_start3A_127 = arith.constant 0 : i32
      %dma_start3A_128 = arith.constant 0 : i32
      %dma_start3A_129 = tpu.memref_slice %arg5[%mul3A_82, %dma_start3A_126, %add3A, %dma_start3A_127, %dma_start3A_128] : memref<200x8x32x8x128xf32, #tpu.memory_space<hbm>> -> memref<1x8x1x8x128xf32, #tpu.memory_space<hbm>>
      %dma_start3A_130 = tpu.memref_squeeze %dma_start3A_129 : memref<1x8x1x8x128xf32, #tpu.memory_space<hbm>> -> memref<8x8x128xf32, #tpu.memory_space<hbm>>
      %dma_start3A_131 = arith.constant 0 : i32
      %dma_start3A_132 = arith.constant 0 : i32
      %dma_start3A_133 = arith.constant 0 : i32
      %dma_start3A_134 = tpu.memref_slice %arg10[%dma_start3A_131, %dma_start3A_132, %dma_start3A_133] : memref<8x8x129xf32, #tpu.memory_space<vmem>> -> memref<8x8x128xf32, #tpu.memory_space<vmem>>
      tpu.enqueue_dma source(%dma_start3A_134 : memref<8x8x128xf32, #tpu.memory_space<vmem>>) target(%dma_start3A_130 : memref<8x8x128xf32, #tpu.memory_space<hbm>>) target_semaphore(%arg14 : memref<!tpu.dma_semaphore, #tpu.memory_space<semaphore_mem>>)
      %lt3A = arith.constant 99 : i32
      %lt3A_135 = arith.cmpi slt, %scan3A_79, %lt3A : i32
      %convert_element_type3A_136 = arith.extui %lt3A_135 : i1 to i32
      %cond3A_137 = arith.constant 0 : i32
      %cond3A_138 = arith.cmpi ne, %convert_element_type3A_136, %cond3A_137 : i32
      scf.if %cond3A_138 {
        %add3A_207 = arith.constant 2 : i32
        %add3A_208 = arith.addi %mul3A_82, %add3A_207 : i32
        %dma_start3A_209 = arith.constant 0 : i32
        %dma_start3A_210 = tpu.memref_slice %arg6[%add3A_208, %dma_start3A_209] : memref<200x128xi32, #tpu.memory_space<vmem>> -> memref<1x128xi32, #tpu.memory_space<vmem>>
        %dma_start3A_211 = tpu.memref_squeeze %dma_start3A_210 : memref<1x128xi32, #tpu.memory_space<vmem>> -> memref<128xi32, #tpu.memory_space<vmem>>
        %dma_start3A_212 = arith.constant 0 : i32
        %dma_start3A_213 = arith.constant 0 : i32
        %dma_start3A_214 = tpu.memref_slice %arg3[%dma_start3A_212, %dma_start3A_213] : memref<1000064x64xf32, #tpu.memory_space<hbm>> -> memref<1000064x64xf32, #tpu.memory_space<hbm>>
        tpu.enqueue_indirect_dma source(%dma_start3A_214 : memref<1000064x64xf32, #tpu.memory_space<hbm>>) target(%arg8 : memref<128x64xf32, #tpu.memory_space<vmem>>) offsets(%dma_start3A_211 : memref<128xi32, #tpu.memory_space<vmem>>) semaphore(%arg12 : memref<!tpu.dma_semaphore, #tpu.memory_space<semaphore_mem>>)
      } else {
      }
      %add3A_139 = arith.constant 1 : i32
      %add3A_140 = arith.addi %mul3A_82, %add3A_139 : i32
      %dma_wait3A_141 = arith.constant 0 : i32
      %dma_wait3A_142 = tpu.memref_slice %arg6[%add3A_140, %dma_wait3A_141] : memref<200x128xi32, #tpu.memory_space<vmem>> -> memref<1x128xi32, #tpu.memory_space<vmem>>
      %dma_wait3A_143 = tpu.memref_squeeze %dma_wait3A_142 : memref<1x128xi32, #tpu.memory_space<vmem>> -> memref<128xi32, #tpu.memory_space<vmem>>
      %dma_wait3A_144 = arith.constant 0 : i32
      %dma_wait3A_145 = arith.constant 0 : i32
      %dma_wait3A_146 = tpu.memref_slice %arg3[%dma_wait3A_144, %dma_wait3A_145] : memref<1000064x64xf32, #tpu.memory_space<hbm>> -> memref<1000064x64xf32, #tpu.memory_space<hbm>>
      tpu.wait_indirect_dma semaphore(%arg13 : memref<!tpu.dma_semaphore, #tpu.memory_space<semaphore_mem>>) src(%dma_wait3A_146 : memref<1000064x64xf32, #tpu.memory_space<hbm>>) dst(%arg9 : memref<128x64xf32, #tpu.memory_space<vmem>>)
      %add3A_147 = arith.constant 1 : i32
      %add3A_148 = arith.addi %mul3A_82, %add3A_147 : i32
      %get3A_149 = arith.index_cast %add3A_148 : i32 to index
      %get3A_150 = arith.constant 0 : index
      %get3A_151 = tpu.vector_load %arg7[%get3A_149, %get3A_150] {strides = array<i32>} : memref<200x64xf32, #tpu.memory_space<vmem>>, vector<16xf32>,
      %get3A_152 = arith.index_cast %add3A_148 : i32 to index
      %get3A_153 = arith.constant 16 : index
      %get3A_154 = tpu.vector_load %arg7[%get3A_152, %get3A_153] {strides = array<i32>} : memref<200x64xf32, #tpu.memory_space<vmem>>, vector<16xf32>,
      %get3A_155 = arith.index_cast %add3A_148 : i32 to index
      %get3A_156 = arith.constant 32 : index
      %get3A_157 = tpu.vector_load %arg7[%get3A_155, %get3A_156] {strides = array<i32>} : memref<200x64xf32, #tpu.memory_space<vmem>>, vector<16xf32>,
      %get3A_158 = arith.index_cast %add3A_148 : i32 to index
      %get3A_159 = arith.constant 48 : index
      %get3A_160 = tpu.vector_load %arg7[%get3A_158, %get3A_159] {strides = array<i32>} : memref<200x64xf32, #tpu.memory_space<vmem>>, vector<16xf32>,
      %scan3A_161 = arith.constant 0 : i32
      %scan3A_162 = arith.constant 0 : i32
      %scan3A_163 = arith.constant 128 : i32
      %scan3A_164 = arith.addi %scan3A_162, %scan3A_163 : i32
      %scan3A_165 = arith.constant 1 : i32
      %scan3A_166 = scf.for %scan3A_207 = %scan3A_162 to %scan3A_164 step %scan3A_165 iter_args(%scan3A_208 = %scan3A_161) -> (i32)  : i32 {
        %broadcast_in_dim3A = arith.constant 0 : i32
        %broadcast_in_dim3A_209 = vector.broadcast %broadcast_in_dim3A : i32 to vector<16xi32>
        %add3A_210 = vector.broadcast %scan3A_207 : i32 to vector<16xi32>
        %add3A_211 = arith.addi %broadcast_in_dim3A_209, %add3A_210 : vector<16xi32>
        %get3A_212 = arith.index_cast %scan3A_207 : i32 to index
        %get3A_213 = arith.constant 0 : index
        %get3A_214 = tpu.vector_load %arg9[%get3A_212, %get3A_213] {strides = array<i32>} : memref<128x64xf32, #tpu.memory_space<vmem>>, vector<16xf32>,
        %add3A_215 = arith.addf %get3A_214, %get3A_151 : vector<16xf32>
        tpu.vector_store_idx %arg11[%shift_right_logical3A_7, %and3A_30, %add3A_211], %add3A_215 : memref<8x8x129xf32, #tpu.memory_space<vmem>>[vector<16xi32>, vector<16xi32>, vector<16xi32>], vector<16xf32>,
        %get3A_216 = arith.index_cast %scan3A_207 : i32 to index
        %get3A_217 = arith.constant 16 : index
        %get3A_218 = tpu.vector_load %arg9[%get3A_216, %get3A_217] {strides = array<i32>} : memref<128x64xf32, #tpu.memory_space<vmem>>, vector<16xf32>,
        %add3A_219 = arith.addf %get3A_218, %get3A_154 : vector<16xf32>
        tpu.vector_store_idx %arg11[%shift_right_logical3A_13, %and3A_36, %add3A_211], %add3A_219 : memref<8x8x129xf32, #tpu.memory_space<vmem>>[vector<16xi32>, vector<16xi32>, vector<16xi32>], vector<16xf32>,
        %get3A_220 = arith.index_cast %scan3A_207 : i32 to index
        %get3A_221 = arith.constant 32 : index
        %get3A_222 = tpu.vector_load %arg9[%get3A_220, %get3A_221] {strides = array<i32>} : memref<128x64xf32, #tpu.memory_space<vmem>>, vector<16xf32>,
        %add3A_223 = arith.addf %get3A_222, %get3A_157 : vector<16xf32>
        tpu.vector_store_idx %arg11[%shift_right_logical3A_19, %and3A_42, %add3A_211], %add3A_223 : memref<8x8x129xf32, #tpu.memory_space<vmem>>[vector<16xi32>, vector<16xi32>, vector<16xi32>], vector<16xf32>,
        %get3A_224 = arith.index_cast %scan3A_207 : i32 to index
        %get3A_225 = arith.constant 48 : index
        %get3A_226 = tpu.vector_load %arg9[%get3A_224, %get3A_225] {strides = array<i32>} : memref<128x64xf32, #tpu.memory_space<vmem>>, vector<16xf32>,
        %add3A_227 = arith.addf %get3A_226, %get3A_160 : vector<16xf32>
        tpu.vector_store_idx %arg11[%shift_right_logical3A_25, %and3A_48, %add3A_211], %add3A_227 : memref<8x8x129xf32, #tpu.memory_space<vmem>>[vector<16xi32>, vector<16xi32>, vector<16xi32>], vector<16xf32>,
        %scan3A_228 = arith.constant 0 : i32
        scf.yield %scan3A_228 : i32
      }
      %scan3A_167 = arith.constant 128 : i32
      %dma_wait3A_168 = arith.constant 0 : i32
      %dma_wait3A_169 = arith.constant 0 : i32
      %dma_wait3A_170 = arith.constant 0 : i32
      %dma_wait3A_171 = tpu.memref_slice %arg10[%dma_wait3A_168, %dma_wait3A_169, %dma_wait3A_170] : memref<8x8x129xf32, #tpu.memory_space<vmem>> -> memref<8x8x128xf32, #tpu.memory_space<vmem>>
      %dma_wait3A_172 = arith.constant 0 : i32
      %dma_wait3A_173 = arith.constant 0 : i32
      %dma_wait3A_174 = arith.constant 0 : i32
      %dma_wait3A_175 = tpu.memref_slice %arg5[%mul3A_82, %dma_wait3A_172, %add3A, %dma_wait3A_173, %dma_wait3A_174] : memref<200x8x32x8x128xf32, #tpu.memory_space<hbm>> -> memref<1x8x1x8x128xf32, #tpu.memory_space<hbm>>
      %dma_wait3A_176 = tpu.memref_squeeze %dma_wait3A_175 : memref<1x8x1x8x128xf32, #tpu.memory_space<hbm>> -> memref<8x8x128xf32, #tpu.memory_space<hbm>>
      %dma_wait3A_177 = arith.constant 0 : i32
      %dma_wait3A_178 = arith.constant 0 : i32
      %dma_wait3A_179 = arith.constant 0 : i32
      %dma_wait3A_180 = tpu.memref_slice %arg5[%mul3A_82, %dma_wait3A_177, %add3A, %dma_wait3A_178, %dma_wait3A_179] : memref<200x8x32x8x128xf32, #tpu.memory_space<hbm>> -> memref<1x8x1x8x128xf32, #tpu.memory_space<hbm>>
      %dma_wait3A_181 = tpu.memref_squeeze %dma_wait3A_180 : memref<1x8x1x8x128xf32, #tpu.memory_space<hbm>> -> memref<8x8x128xf32, #tpu.memory_space<hbm>>
      %dma_wait3A_182 = arith.constant 0 : i32
      %dma_wait3A_183 = arith.constant 0 : i32
      %dma_wait3A_184 = arith.constant 0 : i32
      %dma_wait3A_185 = tpu.memref_slice %arg10[%dma_wait3A_182, %dma_wait3A_183, %dma_wait3A_184] : memref<8x8x129xf32, #tpu.memory_space<vmem>> -> memref<8x8x128xf32, #tpu.memory_space<vmem>>
      tpu.wait_dma2 semaphore(%arg14 : memref<!tpu.dma_semaphore, #tpu.memory_space<semaphore_mem>>) src(%dma_wait3A_185 : memref<8x8x128xf32, #tpu.memory_space<vmem>>) dst(%dma_wait3A_181 : memref<8x8x128xf32, #tpu.memory_space<hbm>>)
      %add3A_186 = arith.constant 1 : i32
      %add3A_187 = arith.addi %mul3A_82, %add3A_186 : i32
      %dma_start3A_188 = arith.constant 0 : i32
      %dma_start3A_189 = arith.constant 0 : i32
      %dma_start3A_190 = arith.constant 0 : i32
      %dma_start3A_191 = tpu.memref_slice %arg11[%dma_start3A_188, %dma_start3A_189, %dma_start3A_190] : memref<8x8x129xf32, #tpu.memory_space<vmem>> -> memref<8x8x128xf32, #tpu.memory_space<vmem>>
      %dma_start3A_192 = arith.constant 0 : i32
      %dma_start3A_193 = arith.constant 0 : i32
      %dma_start3A_194 = arith.constant 0 : i32
      %dma_start3A_195 = tpu.memref_slice %arg5[%add3A_187, %dma_start3A_192, %add3A, %dma_start3A_193, %dma_start3A_194] : memref<200x8x32x8x128xf32, #tpu.memory_space<hbm>> -> memref<1x8x1x8x128xf32, #tpu.memory_space<hbm>>
      %dma_start3A_196 = tpu.memref_squeeze %dma_start3A_195 : memref<1x8x1x8x128xf32, #tpu.memory_space<hbm>> -> memref<8x8x128xf32, #tpu.memory_space<hbm>>
      %dma_start3A_197 = arith.constant 0 : i32
      %dma_start3A_198 = arith.constant 0 : i32
      %dma_start3A_199 = arith.constant 0 : i32
      %dma_start3A_200 = tpu.memref_slice %arg5[%add3A_187, %dma_start3A_197, %add3A, %dma_start3A_198, %dma_start3A_199] : memref<200x8x32x8x128xf32, #tpu.memory_space<hbm>> -> memref<1x8x1x8x128xf32, #tpu.memory_space<hbm>>
      %dma_start3A_201 = tpu.memref_squeeze %dma_start3A_200 : memref<1x8x1x8x128xf32, #tpu.memory_space<hbm>> -> memref<8x8x128xf32, #tpu.memory_space<hbm>>
      %dma_start3A_202 = arith.constant 0 : i32
      %dma_start3A_203 = arith.constant 0 : i32
      %dma_start3A_204 = arith.constant 0 : i32
      %dma_start3A_205 = tpu.memref_slice %arg11[%dma_start3A_202, %dma_start3A_203, %dma_start3A_204] : memref<8x8x129xf32, #tpu.memory_space<vmem>> -> memref<8x8x128xf32, #tpu.memory_space<vmem>>
      tpu.enqueue_dma source(%dma_start3A_205 : memref<8x8x128xf32, #tpu.memory_space<vmem>>) target(%dma_start3A_201 : memref<8x8x128xf32, #tpu.memory_space<hbm>>) target_semaphore(%arg15 : memref<!tpu.dma_semaphore, #tpu.memory_space<semaphore_mem>>)
      %scan3A_206 = arith.constant 0 : i32
      scf.yield %scan3A_206 : i32
    }
    %scan3A_60 = arith.constant 100 : i32
    %dma_wait3A = arith.constant 199 : i32
    %dma_wait3A_61 = arith.constant 0 : i32
    %dma_wait3A_62 = arith.constant 0 : i32
    %dma_wait3A_63 = arith.constant 0 : i32
    %dma_wait3A_64 = tpu.memref_slice %arg11[%dma_wait3A_61, %dma_wait3A_62, %dma_wait3A_63] : memref<8x8x129xf32, #tpu.memory_space<vmem>> -> memref<8x8x128xf32, #tpu.memory_space<vmem>>
    %dma_wait3A_65 = arith.constant 0 : i32
    %dma_wait3A_66 = arith.constant 0 : i32
    %dma_wait3A_67 = arith.constant 0 : i32
    %dma_wait3A_68 = tpu.memref_slice %arg5[%dma_wait3A, %dma_wait3A_65, %add3A, %dma_wait3A_66, %dma_wait3A_67] : memref<200x8x32x8x128xf32, #tpu.memory_space<hbm>> -> memref<1x8x1x8x128xf32, #tpu.memory_space<hbm>>
    %dma_wait3A_69 = tpu.memref_squeeze %dma_wait3A_68 : memref<1x8x1x8x128xf32, #tpu.memory_space<hbm>> -> memref<8x8x128xf32, #tpu.memory_space<hbm>>
    %dma_wait3A_70 = arith.constant 0 : i32
    %dma_wait3A_71 = arith.constant 0 : i32
    %dma_wait3A_72 = arith.constant 0 : i32
    %dma_wait3A_73 = tpu.memref_slice %arg5[%dma_wait3A, %dma_wait3A_70, %add3A, %dma_wait3A_71, %dma_wait3A_72] : memref<200x8x32x8x128xf32, #tpu.memory_space<hbm>> -> memref<1x8x1x8x128xf32, #tpu.memory_space<hbm>>
    %dma_wait3A_74 = tpu.memref_squeeze %dma_wait3A_73 : memref<1x8x1x8x128xf32, #tpu.memory_space<hbm>> -> memref<8x8x128xf32, #tpu.memory_space<hbm>>
    %dma_wait3A_75 = arith.constant 0 : i32
    %dma_wait3A_76 = arith.constant 0 : i32
    %dma_wait3A_77 = arith.constant 0 : i32
    %dma_wait3A_78 = tpu.memref_slice %arg11[%dma_wait3A_75, %dma_wait3A_76, %dma_wait3A_77] : memref<8x8x129xf32, #tpu.memory_space<vmem>> -> memref<8x8x128xf32, #tpu.memory_space<vmem>>
    tpu.wait_dma2 semaphore(%arg15 : memref<!tpu.dma_semaphore, #tpu.memory_space<semaphore_mem>>) src(%dma_wait3A_78 : memref<8x8x128xf32, #tpu.memory_space<vmem>>) dst(%dma_wait3A_74 : memref<8x8x128xf32, #tpu.memory_space<hbm>>)
    return
  }
}

</mosaic_0001>

<sc_bundles>
// kernel: kernel.4.cloned.1.call-start
scs
__scs_entry_jumppad:
0x0: {  	(pc) =	sbr.rel $0x88, $3  }
0x1: {  	(tag) =	ssettag $0x0;
	lr =	simm.s32 $0x1  }
0x2: {  	[smem:$0x3F9F] =	sst lr;
	_ =	strace $0xD0000000  }
0x3: {  	_ = 	snop  }
0x4: {  	_ = 	snop  }
0x5: {  	_ = 	snop  }
0x6: {  	_ = 	snop  }
0x7: {  	_ = 	snop  }
__scs_overlays_trampoline_lowered:
0x8: {  	[smem:$0x3FAE] =	sst s0  }
0x9: {  	[smem:$0x3FAF] =	sst s1  }
0xa: {  	[smem:$0x3FB0] =	sst s2  }
0xb: {  	[smem:$0x3FB1] =	sst s3  }
0xc: {  	[smem:$0x3FB2] =	sst s4  }
0xd: {  	[smem:$0x3FB3] =	sst s5  }
0xe: {  	[smem:$0x3FB4] =	sst s6  }
0xf: {  	[smem:$0x3FB5] =	sst s7  }
0x10: {  	[smem:$0x3FB6] =	sst s8  }
0x11: {  	[smem:$0x3FB7] =	sst s9;
	s0 =	simm.s32 @!p0 $0x0  }
0x12: {  	s1 =	sld [smem:$0x3F9D];
	s0 =	simm.s32 @p0 $0x1  }
0x13: {  	[smem:$0x3FB8] =	sst s0;
	s0 =	simm.s32 @!p1 $0x0  }
0x14: {  	s2 =	sld [smem:$0x3F9C];
	s0 =	simm.s32 @p1 $0x1  }
0x15: {  	[smem:$0x3FB9] =	sst s0;
	s0 =	simm.s32 @!p2 $0x0  }
0x16: {  	s3 =	sld [smem:$0x3FDB];
	s0 =	simm.s32 @p2 $0x1  }
0x17: {  	s4 =	simm.s32 $0x1BF5;
	[smem:$0x3FBB] =	sst s0  }
0x18: {  	s0 =	sld [smem:$0x3F9E];
	_ =	swait.ge [sflag:s4], $0x0  }
0x19: {  	s7 =	sld [smem:$0x3F9F]  }
0x1a: {  	s8 =	sadd.s32 $0xFFFFE003, lr  }
0x1b: {  	s9 =	sadd.s32 $0xFFFFFEF7, lr;
	s5 =	simm.s32 $0xFFFFFFFF;
	p2 =	slt.u32 s8, $0xFFFFF086  }
0x1c: {  	p1 =	slt.u32 s9, $0xF7A;
	s5 =	simm.s32 @!p2 $0x0  }
0x1d: {  	s5 =	simm.s32 @p1 $0x1;
	p0 =	seq.s32 s7, s2  }
0x1e: {  	s7 =	smul.u32 @!p0 $0xF7A, s2;
	p2 =	seq.s32 @!p0 s5, $0x0  }
0x1f: {  	s9 =	smul.u32 $0xF7A, s1;
	s8 =	simm.s32 @!p0 $0x1BF5;
	p2 =	por !p2, p0  }
0x20: {  	[sflag:s8] =	ssyncset.s32 @!p0 $0xFFFFF086;
	s6 =	sadd.s32 @!p0 s3, s7;
	s7 =	simm.s32 @!p0 $0x108  }
0x21: {  	s3 =	sadd.s32 s3, s9;
	s6 =	sadd.s32 @!p0 $0x88, s6;
	s7 =	simm.s32 @p2 $0x1082  }
0x22: {  	[simem:s7], [sflag:s8] =	dma.local @!p0 [hbm:s6], $0xF7A  }
0x23: {  	s9 =	sor.u32 $0xD0000000, s2;
	s6 =	simm.s32 $0x108;
	_ =	swait.ge @!p0 [sflag:s8], $0x0  }
0x24: {  	s3 =	sadd.s32 $0x88, s3;
	s6 =	simm.s32 @!p1 $0x1082;
	[sflag:s4] =	ssyncset.s32 $0xFFFFF086  }
0x25: {  	[simem:s6], [sflag:s4] =	dma.local [hbm:s3], $0xF7A  }
0x26: {  	[smem:$0x3F9F] =	sst s1;
	(tag) =	ssettag s2;
	_ =	strace s9  }
0x27: {  	s1 =	sld [smem:$0x3FAF]  }
0x28: {  	s2 =	sld [smem:$0x3FB0]  }
0x29: {  	s4 =	sld [smem:$0x3FB2]  }
0x2a: {  	p0 =	seq.s32 s5, $0x0;
	s5 =	sld [smem:$0x3FB3]  }
0x2b: {  	s6 =	sld [smem:$0x3FB4]  }
0x2c: {  	s7 =	sld [smem:$0x3FB5]  }
0x2d: {  	s3 =	simm.s32 $0x108;
	s8 =	sld [smem:$0x3FB6]  }
0x2e: {  	s3 =	simm.s32 @!p0 $0x1082;
	s9 =	sld [smem:$0x3FB7]  }
0x2f: {  	lr =	sadd.s32 s0, s3;
	s0 =	sld [smem:$0x3FAE]  }
0x30: {  	s3 =	sld [smem:$0x3FB1]  }
0x31: {  	[smem:$0x3FBA] =	sst s10  }
0x32: {  	s10 =	sld [smem:$0x3FB8];
	_ =	sdelay $0x3  }
0x33: {  	p0 =	seq.s32 s10, $0x1;
	s10 =	sld [smem:$0x3FBA];
	_ =	sdelay $0x3  }
0x34: {  	[smem:$0x3FBA] =	sst s10  }
0x35: {  	s10 =	sld [smem:$0x3FB9];
	_ =	sdelay $0x3  }
0x36: {  	p1 =	seq.s32 s10, $0x1;
	s10 =	sld [smem:$0x3FBA];
	_ =	sdelay $0x3  }
0x37: {  	[smem:$0x3FBA] =	sst s10  }
0x38: {  	s10 =	sld [smem:$0x3FBB]  }
0x39: {  	_ = 	snop;
	(pc) =	sbr.ind lr, $3  }
0x3a: {  	_ = 	snop  }
0x3b: {  	_ = 	snop  }
0x3c: {  	p2 =	seq.s32 s10, $0x1;
	s10 =	sld [smem:$0x3FBA]  }
0x3d: {  	_ =	shalt  }
0x3e: {  	_ =	shalt  }
0x3f: {  	_ =	shalt  }
0x40: {  	_ =	shalt  }
0x41: {  	_ =	shalt  }
0x42: {  	_ =	shalt  }
0x43: {  	_ =	shalt  }
0x44: {  	_ =	shalt  }
0x45: {  	_ =	shalt  }
0x46: {  	_ =	shalt  }
0x47: {  	_ =	shalt  }
0x48: {  	_ =	shalt  }
0x49: {  	_ =	shalt  }
0x4a: {  	_ =	shalt  }
0x4b: {  	_ =	shalt  }
0x4c: {  	_ =	shalt  }
0x4d: {  	_ =	shalt  }
0x4e: {  	_ =	shalt  }
0x4f: {  	_ =	shalt  }
0x50: {  	_ =	shalt  }
0x51: {  	_ =	shalt  }
0x52: {  	_ =	shalt  }
0x53: {  	_ =	shalt  }
0x54: {  	_ =	shalt  }
0x55: {  	_ =	shalt  }
0x56: {  	_ =	shalt  }
0x57: {  	_ =	shalt  }
0x58: {  	_ =	shalt  }
0x59: {  	_ =	shalt  }
0x5a: {  	_ =	shalt  }
0x5b: {  	_ =	shalt  }
0x5c: {  	_ =	shalt  }
0x5d: {  	_ =	shalt  }
0x5e: {  	_ =	shalt  }
0x5f: {  	_ =	shalt  }
0x60: {  	_ =	shalt  }
0x61: {  	_ =	shalt  }
0x62: {  	_ =	shalt  }
0x63: {  	_ =	shalt  }
0x64: {  	_ =	shalt  }
0x65: {  	_ =	shalt  }
0x66: {  	_ =	shalt  }
0x67: {  	_ =	shalt  }
0x68: {  	_ =	shalt  }
0x69: {  	_ =	shalt  }
0x6a: {  	_ =	shalt  }
0x6b: {  	_ =	shalt  }
0x6c: {  	_ =	shalt  }
0x6d: {  	_ =	shalt  }
0x6e: {  	_ =	shalt  }
0x6f: {  	_ =	shalt  }
0x70: {  	_ =	shalt  }
0x71: {  	_ =	shalt  }
0x72: {  	_ =	shalt  }
0x73: {  	_ =	shalt  }
0x74: {  	_ =	shalt  }
0x75: {  	_ =	shalt  }
0x76: {  	_ =	shalt  }
0x77: {  	_ =	shalt  }
0x78: {  	_ =	shalt  }
0x79: {  	_ =	shalt  }
0x7a: {  	_ =	shalt  }
0x7b: {  	_ =	shalt  }
0x7c: {  	_ =	shalt  }
0x7d: {  	_ =	shalt  }
0x7e: {  	_ =	shalt  }
0x7f: {  	_ =	shalt  }
0x80: {  	_ =	shalt  }
0x81: {  	_ =	shalt  }
0x82: {  	_ =	shalt  }
0x83: {  	_ =	shalt  }
0x84: {  	_ =	shalt  }
0x85: {  	_ =	shalt  }
0x86: {  	_ =	shalt  }
0x87: {  	_ =	shalt  }
.Lfunc_end0:
.L_simem_size_0:
called_computation_lowered:
.L_overlay_start_0:
0x88: {  	s2 =	sld [smem:$0x3FD9]  }
0x89: {  	s3 =	sld [smem:$0x3FFE];
	_ =	sdelay $0x1  }
0x8a: {  	s1 =	srdreg.scid  }
0x8b: {  	s0 =	sand.u32 $0x1, s1  }
0x8c: {  	s17 =	sshll.u32 s0, $0xA;
	s2 =	sadd.s32 s3, s2  }
0x8d: {  	s2 =	sadd.s32 s2, s17  }
0x8e: {  	[smem:$0x3FC6] =	sst s2  }
0x8f: {  	_ = 	snop  }
0x90: {  	s2 =	sld [smem:$0x3FC8]  }
0x91: {  	s18 =	sld [smem:$0x3FD0];
	(tm) =	ssettm $0x1  }
0x92: {  	s4 =	sld [smem:$0x3FFB];
	_ =	sdelay $0x3  }
0x93: {  	_ =	strace s4  }
0x94: {  	s4 =	sld [smem:$0x3FFC];
	_ =	sdelay $0x3  }
0x95: {  	_ =	strace s4  }
0x96: {  	s4 =	sld [smem:$0x3FFD];
	_ =	sdelay $0x3  }
0x97: {  	_ =	strace s4  }
0x98: {  	_ =	strace $0x8FFFFFFF  }
0x99: {  	s19 =	sld [smem:$0x3FDB];
	_ =	sdelay $0x1  }
0x9a: {  	s5 =	simm.s32 $_scs_section_size  }
0x9b: {  	s6 =	simm.s32 $_size__tile_overlayer_lowered;
	s7 =	simm.s32 $_tile_overlayer_lowered  }
0x9c: {  	s22 =	simm.s32 $0x1BFF;
	s21 =	sshll.u32 s7, $0x1;
	s4 =	sadd.s32 s5, s19  }
0x9d: {  	s8 =	simm.s32 $0x0;
	s20 =	sshll.u32 s6, $0x1;
	s6 =	sadd.s32 s21, s4  }
0x9e: {  	[timem:s8], [sflag:s22] =	dma.local [hbm:s6], s20  }
0x9f: {  	_ =	swait.ge [sflag:s22], s20  }
0xa0: {  	s5 =	ssub.s32 $0x0, s20;
	[sflag:s22] =	ssyncset.done $0x0  }
0xa1: {  	[sflag:s22] =	ssyncadd.s32 s5;
	_ =	sdelay $0x1  }
0xa2: {  	s23 =	simm.s32 $0x1B8B  }
0xa3: {  	_ =	swait.ge [sflag:s23], $0x1  }
0xa4: {  	[sflag:s23] =	ssyncset.done $0x0  }
0xa5: {  	s25 =	simm.s32 $0x1B8E;
	s24 =	sld [smem:$0x3FFE];
	[sflag:s23] =	ssyncadd.s32 $0xFFFFFFFF  }
0xa6: {  	s26 =	simm.s32 $execute0_lowered;
	[smem:$0x3FD2] =	sst s25  }
0xa7: {  	s6 =	sshll.u32 s26, $0x1;
	_ =	strace $0x80000046;
	[dreg:$0x1] =	wrdreg $0xFFFFFFFF  }
0xa8: {  	s28 =	simm.s32 $_size_execute0_lowered;
	s4 =	sadd.s32 s4, s6;
	[dreg:$0x0] =	wrdreg $0x0  }
0xa9: {  	s6 =	sshll.u32 s28, $0x1;
	[dreg:$0x2] =	wrdreg s4  }
0xaa: {  	[dreg:$0x3] =	wrdreg s6  }
0xab: {  	[dreg:$0x4] =	wrdreg $0xC0  }
0xac: {  	_ =	task [dreg:s8], $0x5FFFF  }
0xad: {  	[dreg:$0x1] =	wrdreg $0xFFFFFFFF  }
0xae: {  	[dreg:$0x0] =	wrdreg $0x60  }
0xaf: {  	[dreg:$0x2] =	wrdreg s2  }
0xb0: {  	[dreg:$0x3] =	wrdreg s18  }
0xb1: {  	[dreg:$0x4] =	wrdreg s24  }
0xb2: {  	[dreg:$0x5] =	wrdreg $0x9  }
0xb3: {  	_ =	task.clear_ibuf [dreg:s8], $0x6FFFF;
	_ =	strace $0x90000046  }
0xb4: {  	s29 =	simm.s32 $0x9;
	_ =	strace $0x80000048  }
0xb5: {  	_ =	swait.ge [sflag:s29], $0x1  }
0xb6: {  	[sflag:s29] =	ssyncadd.s32 $0xFFFFFFFF  }
0xb7: {  	_ =	strace $0x90000048  }
0xb8: {  	_ =	sfence  }
0xb9: {  	s30 =	sld [smem:$0x0];
	_ =	sdelay $0x2  }
0xba: {  	s31 =	sshll.u32 s1, $0xD;
	s1 =	sshrl.u32 s1, $0x2  }
0xbb: {  	s3 =	sand.u32 $0x4000, s31;
	s1 =	sadd.s32 s1, s30  }
0xbc: {  	s0 =	sor.u32 s3, s0;
	s1 =	sshll.u32 s1, $0x11  }
0xbd: {  	s0 =	sor.u32 s1, s0  }
0xbe: {  	s0 =	sadd.s32 $0x8F2B, s0  }
0xbf: {  	[sflag:s0] =	ssyncadd.remote.s32 $0x1  }
0xc0: {  	_ =	sfence.sel $0xFFFF  }
0xc1: {  	[dreg:$0x0] =	wrdreg $0xFFFFFFFF;
	(pc) =	sbr.abs _section_cstart, $3  }
0xc2: {  	[dreg:$0x1] =	wrdreg $0xFFFFFFFF  }
0xc3: {  	_ =	task.clear_ibuf [dreg:s8], $0x2FFFF;
	_ =	strace $0x9FFFFFFF  }
0xc4: {  	(tm) =	ssettm $0x7FFFFFFF  }
0xc5: {  	_ =	shalt  }
tec
execute0_lowered:
.L_overlay_start_1:
0x0: {  	(tag) =	ssettag $0x1  }
0x1: {  	s1 =	rddreg [dreg:$0x0]  }
0x2: {  	s0 =	rddreg [dreg:$0x2]  }
0x3: {  	s4 =	simm.s32 $0x0;
	s2 =	srdreg.scid;
	s3 =	stileid.u32  }
0x4: {  	s7 =	simm.s32 $0xF5;
	s14 =	simm.s32 $0x1;
	s15 =	simm.s32 $0x4000  }
0x5: {  	s16 =	simm.s32 $0x4800;
	s17 =	simm.s32 $0x5000;
	s18 =	simm.s32 $0x5800  }
0x6: {  	s19 =	simm.s32 $0x6000;
	s20 =	simm.s32 $0x6800;
	s21 =	simm.s32 $0x7000  }
0x7: {  	s22 =	simm.s32 $0x7800;
	s23 =	simm.s32 $0x2;
	s28 =	simm.s32 $0x9800  }
0x8: {  	s29 =	simm.s32 $0xA000;
	s30 =	simm.s32 $0xA800;
	s31 =	simm.s32 $0xB000  }
0x9: {  	[smem:$0x7FF] =	sst s4;
	s2 =	sand.u32 $0x1, s2;
	s5 =	sadd.s32 $0x400, s0  }
0xa: {  	s3 =	sshll.u32 s3, $0x1;
	s0 =	sadd.s32 $0x7A1400, s0;
	_ =	strace $0x80000047  }
0xb: {  	s3 =	sor.u32 s2, s3;
	s2 =	ssub.s32 $0x2, s2;
	[dreg:$0x5] =	wrdreg s0  }
0xc: {  	s0 =	simm.s32 $0xB800;
	s6 =	smul.u32 $0xF4, s3;
	p0 =	slt.u32 s3, $0x5  }
0xd: {  	s8 =	smin.u32 s3, $0x5;
	s24 =	sshrl.u32 s2, $0x1;
	s7 =	simm.s32 @!p0 $0xF4  }
0xe: {  	v0 =	vlaneseq.u32;
	p0 =	seq.s32 s3, $0x1F;
	s2 =	ssub.s32 s2, s24;
	s24 =	simm.s32 $0x8000  }
.Ltmp0:
0xf: {  	v0 =	vmul.u32 $0x40, v0;
	s6 =	sadd.s32 s8, s6;
	s7 =	simm.s32 @p0 $0xF3;
	(pc) =	sbr.rel .LBB2_1-.Ltmp0, $4  }
0x10: {  	s26 =	smax.u32 s2, $0x1;
	p0 =	sne.s32 s3, $0x1F;
	s9 =	sshll.u32 s6, $0x7  }
0x11: {  	v1 =	vor.u32 $0x800, v0;
	s10 =	sadd.s32 $0x1, s7;
	[dreg:$0x6] =	wrdreg s26;
	s26 =	simm.s32 $0x9000  }
0x12: {  	v2 =	vor.u32 $0x1000, v0;
	v3 =	vor.u32 $0x1800, v0;
	v4 =	vor.u32 $0x2000, v0;
	s25 =	sadd.s32 s1, s9;
	s8 =	sshrl.u32 s10, $0x1;
	s9 =	sadd.s32 s6, s7  }
0x13: {  	v5 =	vor.u32 $0x2800, v0;
	v6 =	vor.u32 $0x3000, v0;
	v7 =	vor.u32 $0x3800, v0;
	s7 =	simm.s32 $0x0;
	[dreg:$0x4] =	wrdreg s25;
	s25 =	simm.s32 $0x8800  }
.LBB2_9:
0x14: {  	s2 =	simm.s32 $0x3  }
0x15: {  	_ =	swait.ge [sflag:s2], $0x2000  }
0x16: {  	[sflag:s2] =	ssyncset.done $0x0  }
0x17: {  	s11 =	simm.s32 $0x4;
	[sflag:s2] =	ssyncadd.s32 $0xFFFFE000  }
0x18: {  	_ =	swait.ge [sflag:s11], $0x2000  }
0x19: {  	[sflag:s11] =	ssyncset.done $0x0  }
0x1a: {  	[sflag:s11] =	ssyncadd.s32 $0xFFFFE000  }
0x1b: {  	s2 =	simm.s32 @!p0 $0x0;
	s3 =	rddreg [dreg:$0x1]  }
0x1c: {  	[tilespmem:s2], [sflag:$0x5] =	stream.linear.gather @!p0 [hbm4b:s3+s2], $0x1000, $0x38;
	[tilespmem:$0xC000] =	vst v63  }
0x1d: {  	s3 =	simm.s32 @!p0 $0x5  }
0x1e: {  	_ =	swait.ge @!p0 [sflag:s3], $0x1000  }
0x1f: {  	[sflag:s3] =	ssyncset.done @!p0 $0x0  }
0x20: {  	s7 =	rddreg [dreg:$0x5];
	[sflag:s3] =	ssyncadd.s32 @!p0 $0xFFFFF000  }
0x21: {  	[hbm4b:s7+s2] =	stream.linear.scatter @!p0 [tilespmem:s2], [sflag:$0x5], $0x1000, $0x38;
	[tilespmem:$0xC000] =	vst v63  }
0x22: {  	_ =	swait.ge @!p0 [sflag:s3], $0x1000  }
0x23: {  	s12 =	rddreg [dreg:$0x7]  }
0x24: {  	s13 =	rddreg [dreg:$0x6];
	s7 =	sadd.s32 $0x1, s12  }
0x25: {  	p1 =	sne.s32 s7, s13  }
.Ltmp1:
0x26: {  	_ = 	snop;
	(pc) =	sbr.rel @!p1 .LBB2_10-.Ltmp1, $3  }
0x27: {  	_ =	sdelay $0x1  }
0x28: {  	[sflag:s3] =	ssyncset.done @!p0 $0x0  }
0x29: {  	[sflag:s3] =	ssyncadd.s32 @!p0 $0xFFFFF000  }
.LBB2_1:
.Ltmp2:
0x2a: {  	(pc) =	sbr.rel .LBB2_2-.Ltmp2, $4  }
0x2b: {  	_ = 	snop  }
0x2c: {  	s2 =	rddreg [dreg:$0x4];
	s3 =	simm.s32 $0x400;
	s13 =	simm.s32 $0x7A1400  }
0x2d: {  	[tilespmem:s4], [sflag:$0x1] =	stream.strided.gather [hbm4b:s2+s3], $0x2000, s13, s3, $0x38;
	[tilespmem:$0xC000] =	vst v63  }
0x2e: {  	[dreg:$0x7] =	wrdreg s7;
	s13 =	simm.s32 $0x0  }
.LBB2_8:
0x2f: {  	s13 =	sadd.s32 $0x1, s13  }
0x30: {  	p1 =	sne.s32 s13, s8  }
.Ltmp3:
0x31: {  	_ = 	snop;
	(pc) =	sbr.rel @!p1 .LBB2_9-.Ltmp3, $1  }
0x32: {  	_ =	sdelay $0x3  }
.LBB2_2:
0x33: {  	s2 =	sshll.u32 s13, $0x1  }
0x34: {  	s10 =	sadd.s32 s6, s2  }
0x35: {  	s7 =	sadd.s32 $0x1, s10  }
0x36: {  	p1 =	sge.u32 s7, s9  }
0x37: {  	s2 =	sshll.u32 @!p1 s7, $0x7  }
0x38: {  	s3 =	simm.s32 @!p1 $0x400;
	s2 =	sand.u32 @!p1 $0x1FFFFF80, s2  }
0x39: {  	s11 =	simm.s32 @!p1 $0x7A1400;
	s12 =	simm.s32 @!p1 $0x2000;
	s2 =	sadd.s32 @!p1 s1, s2  }
0x3a: {  	[tilespmem:s12], [sflag:$0x2] =	stream.strided.gather @!p1 [hbm4b:s2+s3], $0x2000, s11, s3, $0x38;
	[tilespmem:$0xC000] =	vst v63  }
0x3b: {  	_ =	swait.ge [sflag:s14], $0x2000  }
0x3c: {  	p2 =	seq.s32 s13, $0x0;
	[sflag:s14] =	ssyncset.done $0x0  }
0x3d: {  	s2 =	simm.s32 @!p2 $0x3;
	[sflag:s14] =	ssyncadd.s32 $0xFFFFE000  }
0x3e: {  	_ =	swait.ge @!p2 [sflag:s2], $0x2000  }
0x3f: {  	[sflag:s2] =	ssyncset.done @!p2 $0x0  }
0x40: {  	s11 =	simm.s32 $0x0;
	s3 =	simm.s32 $0x40;
	[sflag:s2] =	ssyncadd.s32 @!p2 $0xFFFFE000  }
0x41: {  	v9 =	vor.u32 s11, v0;
	s2 =	simm.s32 $0x1;
	v8 =	vld [tilespmem:s3+$0xFFFFFFC0]  }
.LBB2_3:
0x42: {  	p3 =	sne.s32 s2, $0x3F;
	_ =	sdelay $0x3  }
0x43: {  	[tilespmem:v9+s15+$0x0] =	vst.idx.msk $0xffff, v8  }
0x44: {  	v9 =	vor.u32 s11, v1;
	v8 =	vld [tilespmem:s3+$0xFFFFFFD0];
	_ =	sdelay $0x4  }
0x45: {  	[tilespmem:v9+s15+$0x0] =	vst.idx.msk $0xffff, v8  }
0x46: {  	v9 =	vor.u32 s11, v2;
	v8 =	vld [tilespmem:s3+$0xFFFFFFE0];
	_ =	sdelay $0x4  }
0x47: {  	[tilespmem:v9+s15+$0x0] =	vst.idx.msk $0xffff, v8  }
0x48: {  	v9 =	vor.u32 s11, v3;
	v8 =	vld [tilespmem:s3+$0xFFFFFFF0];
	_ =	sdelay $0x4  }
0x49: {  	[tilespmem:v9+s15+$0x0] =	vst.idx.msk $0xffff, v8  }
0x4a: {  	v9 =	vor.u32 s11, v4;
	v8 =	vld [tilespmem:s3+$0x0];
	_ =	sdelay $0x4  }
0x4b: {  	[tilespmem:v9+s15+$0x0] =	vst.idx.msk $0xffff, v8  }
0x4c: {  	v9 =	vor.u32 s11, v5;
	v8 =	vld [tilespmem:s3+$0x10];
	_ =	sdelay $0x4  }
0x4d: {  	[tilespmem:v9+s15+$0x0] =	vst.idx.msk $0xffff, v8  }
0x4e: {  	v9 =	vor.u32 s11, v6;
	v8 =	vld [tilespmem:s3+$0x20];
	_ =	sdelay $0x4  }
0x4f: {  	[tilespmem:v9+s15+$0x0] =	vst.idx.msk $0xffff, v8  }
0x50: {  	v9 =	vor.u32 s11, v7;
	s11 =	smov.u32 s2;
	v8 =	vld [tilespmem:s3+$0x30];
	_ =	sdelay $0x1  }
.Ltmp4:
0x51: {  	(pc) =	sbr.rel @p3 .LBB2_3-.Ltmp4, $3  }
0x52: {  	_ =	sdelay $0x1  }
0x53: {  	s3 =	sadd.s32 $0x80, s3;
	[tilespmem:v9+s15+$0x0] =	vst.idx.msk $0xffff, v8  }
0x54: {  	s2 =	sadd.s32 $0x1, s2;
	v9 =	vor.u32 s11, v0;
	v8 =	vld [tilespmem:s3+$0xFFFFFFC0]  }
0x55: {  	_ =	sdelay $0x3  }
0x56: {  	[tilespmem:v9+s15+$0x0] =	vst.idx.msk $0xffff, v8  }
0x57: {  	v57 =	vor.u32 s11, v1;
	v8 =	vld [tilespmem:s3+$0xFFFFFFD0];
	_ =	sdelay $0x4  }
0x58: {  	[tilespmem:v57+s15+$0x0] =	vst.idx.msk $0xffff, v8  }
0x59: {  	v58 =	vor.u32 s11, v2;
	v8 =	vld [tilespmem:s3+$0xFFFFFFE0];
	_ =	sdelay $0x4  }
0x5a: {  	[tilespmem:v58+s15+$0x0] =	vst.idx.msk $0xffff, v8  }
0x5b: {  	v59 =	vor.u32 s11, v3;
	v8 =	vld [tilespmem:s3+$0xFFFFFFF0];
	_ =	sdelay $0x4  }
0x5c: {  	[tilespmem:v59+s15+$0x0] =	vst.idx.msk $0xffff, v8  }
0x5d: {  	v60 =	vor.u32 s11, v4;
	v8 =	vld [tilespmem:s3+$0x0];
	_ =	sdelay $0x4  }
0x5e: {  	[tilespmem:v60+s15+$0x0] =	vst.idx.msk $0xffff, v8  }
0x5f: {  	v61 =	vor.u32 s11, v5;
	v8 =	vld [tilespmem:s3+$0x10];
	_ =	sdelay $0x4  }
0x60: {  	[tilespmem:v61+s15+$0x0] =	vst.idx.msk $0xffff, v8  }
0x61: {  	v62 =	vor.u32 s11, v6;
	v8 =	vld [tilespmem:s3+$0x20];
	_ =	sdelay $0x4  }
0x62: {  	[tilespmem:v62+s15+$0x0] =	vst.idx.msk $0xffff, v8  }
0x63: {  	v63 =	vor.u32 s11, v7;
	v8 =	vld [tilespmem:s3+$0x30];
	_ =	sdelay $0x2  }
0x64: {  	s2 =	sshll.u32 s10, $0xA  }
0x65: {  	s2 =	sand.u32 $0x1FFFFC00, s2  }
0x66: {  	s2 =	sadd.s32 s5, s2;
	[tilespmem:v63+s15+$0x0] =	vst.idx.msk $0xffff, v8  }
0x67: {  	[hbm4b:s2+s4] =	stream.linear.scatter [tilespmem:s15], [sflag:$0x3], $0x400, $0x38;
	[tilespmem:$0xC000] =	vst v63  }
0x68: {  	s11 =	sadd.s32 $0x80, s2  }
0x69: {  	[hbm4b:s11+s4] =	stream.linear.scatter [tilespmem:s16], [sflag:$0x3], $0x400, $0x38;
	[tilespmem:$0xC000] =	vst v63  }
0x6a: {  	s12 =	sadd.s32 $0x100, s2  }
0x6b: {  	[hbm4b:s12+s4] =	stream.linear.scatter [tilespmem:s17], [sflag:$0x3], $0x400, $0x38;
	[tilespmem:$0xC000] =	vst v63  }
0x6c: {  	s11 =	sadd.s32 $0x180, s2  }
0x6d: {  	[hbm4b:s11+s4] =	stream.linear.scatter [tilespmem:s18], [sflag:$0x3], $0x400, $0x38;
	[tilespmem:$0xC000] =	vst v63  }
0x6e: {  	s12 =	sadd.s32 $0x200, s2  }
0x6f: {  	[hbm4b:s12+s4] =	stream.linear.scatter [tilespmem:s19], [sflag:$0x3], $0x400, $0x38;
	[tilespmem:$0xC000] =	vst v63  }
0x70: {  	s11 =	sadd.s32 $0x280, s2  }
0x71: {  	[hbm4b:s11+s4] =	stream.linear.scatter [tilespmem:s20], [sflag:$0x3], $0x400, $0x38;
	[tilespmem:$0xC000] =	vst v63  }
0x72: {  	s12 =	sadd.s32 $0x300, s2  }
0x73: {  	[hbm4b:s12+s4] =	stream.linear.scatter [tilespmem:s21], [sflag:$0x3], $0x400, $0x38;
	[tilespmem:$0xC000] =	vst v63  }
0x74: {  	s2 =	sadd.s32 $0x380, s2  }
0x75: {  	[hbm4b:s2+s4] =	stream.linear.scatter [tilespmem:s22], [sflag:$0x3], $0x400, $0x38;
	[tilespmem:$0xC000] =	vst v63  }
0x76: {  	s2 =	sadd.s32 $0x2, s10  }
.Ltmp5:
0x77: {  	p3 =	sge.u32 s2, s9;
	(pc) =	sbr.rel @p1 .LBB2_8-.Ltmp5, $4  }
0x78: {  	s2 =	sshll.u32 @!p3 s2, $0x7  }
0x79: {  	s3 =	simm.s32 @!p3 $0x400;
	s2 =	sand.u32 @!p3 $0x1FFFFF80, s2  }
0x7a: {  	s10 =	simm.s32 @!p3 $0x7A1400;
	s11 =	simm.s32 @!p3 $0x0;
	s2 =	sadd.s32 @!p3 s1, s2  }
0x7b: {  	[tilespmem:s11], [sflag:$0x1] =	stream.strided.gather @!p3 [hbm4b:s2+s3], $0x2000, s10, s3, $0x38;
	[tilespmem:$0xC000] =	vst v63  }
0x7c: {  	_ =	swait.ge [sflag:s23], $0x2000  }
0x7d: {  	[sflag:s23] =	ssyncset.done $0x0  }
0x7e: {  	s2 =	simm.s32 @!p2 $0x4;
	[sflag:s23] =	ssyncadd.s32 $0xFFFFE000  }
0x7f: {  	_ =	swait.ge @!p2 [sflag:s2], $0x2000  }
0x80: {  	[sflag:s2] =	ssyncset.done @!p2 $0x0  }
0x81: {  	s10 =	simm.s32 $0x0;
	s3 =	simm.s32 $0x2040;
	[sflag:s2] =	ssyncadd.s32 @!p2 $0xFFFFE000  }
0x82: {  	v9 =	vor.u32 s10, v0;
	s2 =	simm.s32 $0x1;
	v8 =	vld [tilespmem:s3+$0xFFFFFFC0]  }
.LBB2_6:
0x83: {  	p1 =	sne.s32 s2, $0x3F;
	_ =	sdelay $0x3  }
0x84: {  	[tilespmem:v9+s24+$0x0] =	vst.idx.msk $0xffff, v8  }
0x85: {  	v9 =	vor.u32 s10, v1;
	v8 =	vld [tilespmem:s3+$0xFFFFFFD0];
	_ =	sdelay $0x4  }
0x86: {  	[tilespmem:v9+s24+$0x0] =	vst.idx.msk $0xffff, v8  }
0x87: {  	v9 =	vor.u32 s10, v2;
	v8 =	vld [tilespmem:s3+$0xFFFFFFE0];
	_ =	sdelay $0x4  }
0x88: {  	[tilespmem:v9+s24+$0x0] =	vst.idx.msk $0xffff, v8  }
0x89: {  	v9 =	vor.u32 s10, v3;
	v8 =	vld [tilespmem:s3+$0xFFFFFFF0];
	_ =	sdelay $0x4  }
0x8a: {  	[tilespmem:v9+s24+$0x0] =	vst.idx.msk $0xffff, v8  }
0x8b: {  	v9 =	vor.u32 s10, v4;
	v8 =	vld [tilespmem:s3+$0x0];
	_ =	sdelay $0x4  }
0x8c: {  	[tilespmem:v9+s24+$0x0] =	vst.idx.msk $0xffff, v8  }
0x8d: {  	v9 =	vor.u32 s10, v5;
	v8 =	vld [tilespmem:s3+$0x10];
	_ =	sdelay $0x4  }
0x8e: {  	[tilespmem:v9+s24+$0x0] =	vst.idx.msk $0xffff, v8  }
0x8f: {  	v9 =	vor.u32 s10, v6;
	v8 =	vld [tilespmem:s3+$0x20];
	_ =	sdelay $0x4  }
0x90: {  	[tilespmem:v9+s24+$0x0] =	vst.idx.msk $0xffff, v8  }
0x91: {  	v9 =	vor.u32 s10, v7;
	s10 =	smov.u32 s2;
	v8 =	vld [tilespmem:s3+$0x30];
	_ =	sdelay $0x1  }
.Ltmp6:
0x92: {  	(pc) =	sbr.rel @p1 .LBB2_6-.Ltmp6, $3  }
0x93: {  	_ =	sdelay $0x1  }
0x94: {  	s3 =	sadd.s32 $0x80, s3;
	[tilespmem:v9+s24+$0x0] =	vst.idx.msk $0xffff, v8  }
0x95: {  	s2 =	sadd.s32 $0x1, s2;
	v9 =	vor.u32 s10, v0;
	v8 =	vld [tilespmem:s3+$0xFFFFFFC0]  }
0x96: {  	_ =	sdelay $0x3  }
0x97: {  	[tilespmem:v9+s24+$0x0] =	vst.idx.msk $0xffff, v8  }
0x98: {  	v57 =	vor.u32 s10, v1;
	v8 =	vld [tilespmem:s3+$0xFFFFFFD0];
	_ =	sdelay $0x4  }
0x99: {  	[tilespmem:v57+s24+$0x0] =	vst.idx.msk $0xffff, v8  }
0x9a: {  	v58 =	vor.u32 s10, v2;
	v8 =	vld [tilespmem:s3+$0xFFFFFFE0];
	_ =	sdelay $0x4  }
0x9b: {  	[tilespmem:v58+s24+$0x0] =	vst.idx.msk $0xffff, v8  }
0x9c: {  	v59 =	vor.u32 s10, v3;
	v8 =	vld [tilespmem:s3+$0xFFFFFFF0];
	_ =	sdelay $0x4  }
0x9d: {  	[tilespmem:v59+s24+$0x0] =	vst.idx.msk $0xffff, v8  }
0x9e: {  	v60 =	vor.u32 s10, v4;
	v8 =	vld [tilespmem:s3+$0x0];
	_ =	sdelay $0x4  }
0x9f: {  	[tilespmem:v60+s24+$0x0] =	vst.idx.msk $0xffff, v8  }
0xa0: {  	v61 =	vor.u32 s10, v5;
	v8 =	vld [tilespmem:s3+$0x10];
	_ =	sdelay $0x4  }
0xa1: {  	[tilespmem:v61+s24+$0x0] =	vst.idx.msk $0xffff, v8  }
0xa2: {  	v62 =	vor.u32 s10, v6;
	v8 =	vld [tilespmem:s3+$0x20];
	_ =	sdelay $0x4  }
0xa3: {  	[tilespmem:v62+s24+$0x0] =	vst.idx.msk $0xffff, v8  }
0xa4: {  	v63 =	vor.u32 s10, v7;
	v8 =	vld [tilespmem:s3+$0x30];
	_ =	sdelay $0x2  }
0xa5: {  	s2 =	sshll.u32 s7, $0xA  }
0xa6: {  	s2 =	sand.u32 $0x1FFFFC00, s2  }
0xa7: {  	s2 =	sadd.s32 s5, s2;
	[tilespmem:v63+s24+$0x0] =	vst.idx.msk $0xffff, v8  }
0xa8: {  	[hbm4b:s2+s4] =	stream.linear.scatter [tilespmem:s24], [sflag:$0x4], $0x400, $0x38;
	[tilespmem:$0xC000] =	vst v63  }
0xa9: {  	s11 =	sadd.s32 $0x80, s2  }
0xaa: {  	[hbm4b:s11+s4] =	stream.linear.scatter [tilespmem:s25], [sflag:$0x4], $0x400, $0x38;
	[tilespmem:$0xC000] =	vst v63  }
0xab: {  	s12 =	sadd.s32 $0x100, s2  }
0xac: {  	[hbm4b:s12+s4] =	stream.linear.scatter [tilespmem:s26], [sflag:$0x4], $0x400, $0x38;
	[tilespmem:$0xC000] =	vst v63  }
0xad: {  	s7 =	sadd.s32 $0x180, s2  }
0xae: {  	[hbm4b:s7+s4] =	stream.linear.scatter [tilespmem:s28], [sflag:$0x4], $0x400, $0x38;
	[tilespmem:$0xC000] =	vst v63  }
0xaf: {  	s10 =	sadd.s32 $0x200, s2  }
0xb0: {  	[hbm4b:s10+s4] =	stream.linear.scatter [tilespmem:s29], [sflag:$0x4], $0x400, $0x38;
	[tilespmem:$0xC000] =	vst v63  }
0xb1: {  	s11 =	sadd.s32 $0x280, s2  }
0xb2: {  	[hbm4b:s11+s4] =	stream.linear.scatter [tilespmem:s30], [sflag:$0x4], $0x400, $0x38;
	[tilespmem:$0xC000] =	vst v63  }
.Ltmp7:
0xb3: {  	_ = 	snop;
	(pc) =	sbr.rel .LBB2_8-.Ltmp7, $4  }
0xb4: {  	s12 =	sadd.s32 $0x300, s2  }
0xb5: {  	[hbm4b:s12+s4] =	stream.linear.scatter [tilespmem:s31], [sflag:$0x4], $0x400, $0x38;
	[tilespmem:$0xC000] =	vst v63  }
0xb6: {  	s2 =	sadd.s32 $0x380, s2  }
0xb7: {  	[hbm4b:s2+s4] =	stream.linear.scatter [tilespmem:s0], [sflag:$0x4], $0x400, $0x38;
	[tilespmem:$0xC000] =	vst v63  }
.LBB2_10:
0xb8: {  	_ =	sfence.sel $0x180000  }
0xb9: {  	[bflag:$0x0] =	sbarrier.arrive $0xFFFF  }
0xba: {  	_ =	strace $0x90000047  }
0xbb: {  	s0 =	stileid.u32;
	[bflag:$0x2] =	sbarrier.arrive $0xFFFF  }
0xbc: {  	p0 =	sne.s32 s0, $0x0;
	s0 =	rddreg [dreg:$0x3]  }
0xbd: {  	s0 =	sadd.s32 @!p0 $0x100000, s0  }
0xbe: {  	[sflag:s0] =	ssyncadd.tile.s32 @!p0 $0x1;
	_ =	shalt  }
.Lfunc_end2:
_tile_overlayer_lowered:
.L_overlay_start_2:
0xbf: {  	(tag) =	ssettag $0x2  }
0xc0: {  	s0 =	rddreg [dreg:$0x0];
	s2 =	stileid.u32  }
0xc1: {  	s1 =	rddreg [dreg:$0x1];
	p0 =	sne.s32 s2, $0x0  }
0xc2: {  	s3 =	rddreg [dreg:$0x2];
	[bflag:$0x3] =	sbarrier.arrive $0xFFFF;
	s2 =	simm.s32 @!p0 $0x1C05  }
0xc3: {  	[timem:s3], [sflag:s2] =	dma.local @!p0 [hbm:s0], s1  }
0xc4: {  	s0 =	simm.s32 @!p0 $0x5  }
0xc5: {  	_ =	swait.ge @!p0 [sflag:s0], s1  }
0xc6: {  	s1 =	ssub.s32 @!p0 $0x0, s1;
	[sflag:s0] =	ssyncset.done @!p0 $0x0  }
0xc7: {  	[sflag:s0] =	ssyncadd.s32 @!p0 s1  }
0xc8: {  	[bflag:$0x3] =	sbarrier.arrive $0xFFFF  }
0xc9: {  	_ =	shalt  }

// kernel: kernel.7.cloned.1.call-start
scs
__scs_entry_jumppad:
0x0: {  	(pc) =	sbr.rel $0x88, $3  }
0x1: {  	(tag) =	ssettag $0x0;
	lr =	simm.s32 $0x1  }
0x2: {  	[smem:$0x3F9F] =	sst lr;
	_ =	strace $0xD0000000  }
0x3: {  	_ = 	snop  }
0x4: {  	_ = 	snop  }
0x5: {  	_ = 	snop  }
0x6: {  	_ = 	snop  }
0x7: {  	_ = 	snop  }
__scs_overlays_trampoline_lowered:
0x8: {  	[smem:$0x3FAE] =	sst s0  }
0x9: {  	[smem:$0x3FAF] =	sst s1  }
0xa: {  	[smem:$0x3FB0] =	sst s2  }
0xb: {  	[smem:$0x3FB1] =	sst s3  }
0xc: {  	[smem:$0x3FB2] =	sst s4  }
0xd: {  	[smem:$0x3FB3] =	sst s5  }
0xe: {  	[smem:$0x3FB4] =	sst s6  }
0xf: {  	[smem:$0x3FB5] =	sst s7  }
0x10: {  	[smem:$0x3FB6] =	sst s8  }
0x11: {  	[smem:$0x3FB7] =	sst s9;
	s0 =	simm.s32 @!p0 $0x0  }
0x12: {  	s1 =	sld [smem:$0x3F9D];
	s0 =	simm.s32 @p0 $0x1  }
0x13: {  	[smem:$0x3FB8] =	sst s0;
	s0 =	simm.s32 @!p1 $0x0  }
0x14: {  	s2 =	sld [smem:$0x3F9C];
	s0 =	simm.s32 @p1 $0x1  }
0x15: {  	[smem:$0x3FB9] =	sst s0;
	s0 =	simm.s32 @!p2 $0x0  }
0x16: {  	s3 =	sld [smem:$0x3FDB];
	s0 =	simm.s32 @p2 $0x1  }
0x17: {  	s4 =	simm.s32 $0x1BF5;
	[smem:$0x3FBB] =	sst s0  }
0x18: {  	s0 =	sld [smem:$0x3F9E];
	_ =	swait.ge [sflag:s4], $0x0  }
0x19: {  	s7 =	sld [smem:$0x3F9F]  }
0x1a: {  	s8 =	sadd.s32 $0xFFFFE003, lr  }
0x1b: {  	s9 =	sadd.s32 $0xFFFFFEF7, lr;
	s5 =	simm.s32 $0xFFFFFFFF;
	p2 =	slt.u32 s8, $0xFFFFF086  }
0x1c: {  	p1 =	slt.u32 s9, $0xF7A;
	s5 =	simm.s32 @!p2 $0x0  }
0x1d: {  	s5 =	simm.s32 @p1 $0x1;
	p0 =	seq.s32 s7, s2  }
0x1e: {  	s7 =	smul.u32 @!p0 $0xF7A, s2;
	p2 =	seq.s32 @!p0 s5, $0x0  }
0x1f: {  	s9 =	smul.u32 $0xF7A, s1;
	s8 =	simm.s32 @!p0 $0x1BF5;
	p2 =	por !p2, p0  }
0x20: {  	[sflag:s8] =	ssyncset.s32 @!p0 $0xFFFFF086;
	s6 =	sadd.s32 @!p0 s3, s7;
	s7 =	simm.s32 @!p0 $0x108  }
0x21: {  	s3 =	sadd.s32 s3, s9;
	s6 =	sadd.s32 @!p0 $0x88, s6;
	s7 =	simm.s32 @p2 $0x1082  }
0x22: {  	[simem:s7], [sflag:s8] =	dma.local @!p0 [hbm:s6], $0xF7A  }
0x23: {  	s9 =	sor.u32 $0xD0000000, s2;
	s6 =	simm.s32 $0x108;
	_ =	swait.ge @!p0 [sflag:s8], $0x0  }
0x24: {  	s3 =	sadd.s32 $0x88, s3;
	s6 =	simm.s32 @!p1 $0x1082;
	[sflag:s4] =	ssyncset.s32 $0xFFFFF086  }
0x25: {  	[simem:s6], [sflag:s4] =	dma.local [hbm:s3], $0xF7A  }
0x26: {  	[smem:$0x3F9F] =	sst s1;
	(tag) =	ssettag s2;
	_ =	strace s9  }
0x27: {  	s1 =	sld [smem:$0x3FAF]  }
0x28: {  	s2 =	sld [smem:$0x3FB0]  }
0x29: {  	s4 =	sld [smem:$0x3FB2]  }
0x2a: {  	p0 =	seq.s32 s5, $0x0;
	s5 =	sld [smem:$0x3FB3]  }
0x2b: {  	s6 =	sld [smem:$0x3FB4]  }
0x2c: {  	s7 =	sld [smem:$0x3FB5]  }
0x2d: {  	s3 =	simm.s32 $0x108;
	s8 =	sld [smem:$0x3FB6]  }
0x2e: {  	s3 =	simm.s32 @!p0 $0x1082;
	s9 =	sld [smem:$0x3FB7]  }
0x2f: {  	lr =	sadd.s32 s0, s3;
	s0 =	sld [smem:$0x3FAE]  }
0x30: {  	s3 =	sld [smem:$0x3FB1]  }
0x31: {  	[smem:$0x3FBA] =	sst s10  }
0x32: {  	s10 =	sld [smem:$0x3FB8];
	_ =	sdelay $0x3  }
0x33: {  	p0 =	seq.s32 s10, $0x1;
	s10 =	sld [smem:$0x3FBA];
	_ =	sdelay $0x3  }
0x34: {  	[smem:$0x3FBA] =	sst s10  }
0x35: {  	s10 =	sld [smem:$0x3FB9];
	_ =	sdelay $0x3  }
0x36: {  	p1 =	seq.s32 s10, $0x1;
	s10 =	sld [smem:$0x3FBA];
	_ =	sdelay $0x3  }
0x37: {  	[smem:$0x3FBA] =	sst s10  }
0x38: {  	s10 =	sld [smem:$0x3FBB]  }
0x39: {  	_ = 	snop;
	(pc) =	sbr.ind lr, $3  }
0x3a: {  	_ = 	snop  }
0x3b: {  	_ = 	snop  }
0x3c: {  	p2 =	seq.s32 s10, $0x1;
	s10 =	sld [smem:$0x3FBA]  }
0x3d: {  	_ =	shalt  }
0x3e: {  	_ =	shalt  }
0x3f: {  	_ =	shalt  }
0x40: {  	_ =	shalt  }
0x41: {  	_ =	shalt  }
0x42: {  	_ =	shalt  }
0x43: {  	_ =	shalt  }
0x44: {  	_ =	shalt  }
0x45: {  	_ =	shalt  }
0x46: {  	_ =	shalt  }
0x47: {  	_ =	shalt  }
0x48: {  	_ =	shalt  }
0x49: {  	_ =	shalt  }
0x4a: {  	_ =	shalt  }
0x4b: {  	_ =	shalt  }
0x4c: {  	_ =	shalt  }
0x4d: {  	_ =	shalt  }
0x4e: {  	_ =	shalt  }
0x4f: {  	_ =	shalt  }
0x50: {  	_ =	shalt  }
0x51: {  	_ =	shalt  }
0x52: {  	_ =	shalt  }
0x53: {  	_ =	shalt  }
0x54: {  	_ =	shalt  }
0x55: {  	_ =	shalt  }
0x56: {  	_ =	shalt  }
0x57: {  	_ =	shalt  }
0x58: {  	_ =	shalt  }
0x59: {  	_ =	shalt  }
0x5a: {  	_ =	shalt  }
0x5b: {  	_ =	shalt  }
0x5c: {  	_ =	shalt  }
0x5d: {  	_ =	shalt  }
0x5e: {  	_ =	shalt  }
0x5f: {  	_ =	shalt  }
0x60: {  	_ =	shalt  }
0x61: {  	_ =	shalt  }
0x62: {  	_ =	shalt  }
0x63: {  	_ =	shalt  }
0x64: {  	_ =	shalt  }
0x65: {  	_ =	shalt  }
0x66: {  	_ =	shalt  }
0x67: {  	_ =	shalt  }
0x68: {  	_ =	shalt  }
0x69: {  	_ =	shalt  }
0x6a: {  	_ =	shalt  }
0x6b: {  	_ =	shalt  }
0x6c: {  	_ =	shalt  }
0x6d: {  	_ =	shalt  }
0x6e: {  	_ =	shalt  }
0x6f: {  	_ =	shalt  }
0x70: {  	_ =	shalt  }
0x71: {  	_ =	shalt  }
0x72: {  	_ =	shalt  }
0x73: {  	_ =	shalt  }
0x74: {  	_ =	shalt  }
0x75: {  	_ =	shalt  }
0x76: {  	_ =	shalt  }
0x77: {  	_ =	shalt  }
0x78: {  	_ =	shalt  }
0x79: {  	_ =	shalt  }
0x7a: {  	_ =	shalt  }
0x7b: {  	_ =	shalt  }
0x7c: {  	_ =	shalt  }
0x7d: {  	_ =	shalt  }
0x7e: {  	_ =	shalt  }
0x7f: {  	_ =	shalt  }
0x80: {  	_ =	shalt  }
0x81: {  	_ =	shalt  }
0x82: {  	_ =	shalt  }
0x83: {  	_ =	shalt  }
0x84: {  	_ =	shalt  }
0x85: {  	_ =	shalt  }
0x86: {  	_ =	shalt  }
0x87: {  	_ =	shalt  }
.Lfunc_end0:
.L_simem_size_0:
called_computation.1_lowered:
.L_overlay_start_0:
0x88: {  	s2 =	sld [smem:$0x3FD9]  }
0x89: {  	s3 =	sld [smem:$0x3FFE];
	_ =	sdelay $0x1  }
0x8a: {  	s1 =	srdreg.scid  }
0x8b: {  	s0 =	sand.u32 $0x1, s1  }
0x8c: {  	s17 =	sshll.u32 s0, $0xA;
	s2 =	sadd.s32 s3, s2  }
0x8d: {  	s2 =	sadd.s32 s2, s17  }
0x8e: {  	[smem:$0x3FC6] =	sst s2  }
0x8f: {  	_ = 	snop  }
0x90: {  	s2 =	sld [smem:$0x3FD0];
	(tm) =	ssettm $0x1  }
0x91: {  	s18 =	sld [smem:$0x3FFB];
	_ =	sdelay $0x3  }
0x92: {  	_ =	strace s18  }
0x93: {  	s3 =	sld [smem:$0x3FFC];
	_ =	sdelay $0x3  }
0x94: {  	_ =	strace s3  }
0x95: {  	s3 =	sld [smem:$0x3FFD];
	_ =	sdelay $0x3  }
0x96: {  	_ =	strace s3  }
0x97: {  	_ =	strace $0x8FFFFFFF  }
0x98: {  	s19 =	sld [smem:$0x3FDB];
	_ =	sdelay $0x1  }
0x99: {  	s4 =	simm.s32 $_scs_section_size  }
0x9a: {  	s5 =	simm.s32 $_size__tile_overlayer_lowered;
	s6 =	simm.s32 $_tile_overlayer_lowered  }
0x9b: {  	s22 =	simm.s32 $0x1BFF;
	s21 =	sshll.u32 s6, $0x1;
	s3 =	sadd.s32 s4, s19  }
0x9c: {  	s7 =	simm.s32 $0x0;
	s20 =	sshll.u32 s5, $0x1;
	s5 =	sadd.s32 s21, s3  }
0x9d: {  	[timem:s7], [sflag:s22] =	dma.local [hbm:s5], s20  }
0x9e: {  	_ =	swait.ge [sflag:s22], s20  }
0x9f: {  	s4 =	ssub.s32 $0x0, s20;
	[sflag:s22] =	ssyncset.done $0x0  }
0xa0: {  	[sflag:s22] =	ssyncadd.s32 s4;
	_ =	sdelay $0x1  }
0xa1: {  	s23 =	simm.s32 $0x1B8B  }
0xa2: {  	_ =	swait.ge [sflag:s23], $0x1  }
0xa3: {  	[sflag:s23] =	ssyncset.done $0x0  }
0xa4: {  	s25 =	simm.s32 $0x1B8E;
	s24 =	sld [smem:$0x3FFE];
	[sflag:s23] =	ssyncadd.s32 $0xFFFFFFFF  }
0xa5: {  	s26 =	simm.s32 $execute0_lowered;
	[smem:$0x3FD2] =	sst s25  }
0xa6: {  	s5 =	sshll.u32 s26, $0x1;
	_ =	strace $0x80000049;
	[dreg:$0x1] =	wrdreg $0xFFFFFFFF  }
0xa7: {  	s28 =	simm.s32 $_size_execute0_lowered;
	s3 =	sadd.s32 s3, s5;
	[dreg:$0x0] =	wrdreg $0x0  }
0xa8: {  	s5 =	sshll.u32 s28, $0x1;
	[dreg:$0x2] =	wrdreg s3  }
0xa9: {  	[dreg:$0x3] =	wrdreg s5  }
0xaa: {  	[dreg:$0x4] =	wrdreg $0xC0  }
0xab: {  	_ =	task [dreg:s7], $0x5FFFF  }
0xac: {  	[dreg:$0x1] =	wrdreg $0xFFFFFFFF  }
0xad: {  	[dreg:$0x0] =	wrdreg $0x60  }
0xae: {  	[dreg:$0x2] =	wrdreg s24  }
0xaf: {  	[dreg:$0x3] =	wrdreg s2  }
0xb0: {  	[dreg:$0x4] =	wrdreg $0x9  }
0xb1: {  	_ =	task.clear_ibuf [dreg:s7], $0x5FFFF;
	_ =	strace $0x90000049  }
0xb2: {  	s29 =	simm.s32 $0x9;
	_ =	strace $0x8000004B  }
0xb3: {  	_ =	swait.ge [sflag:s29], $0x1  }
0xb4: {  	[sflag:s29] =	ssyncadd.s32 $0xFFFFFFFF  }
0xb5: {  	_ =	strace $0x9000004B  }
0xb6: {  	_ =	sfence  }
0xb7: {  	s30 =	sld [smem:$0x0];
	_ =	sdelay $0x2  }
0xb8: {  	s31 =	sshll.u32 s1, $0xD;
	s1 =	sshrl.u32 s1, $0x2  }
0xb9: {  	s3 =	sand.u32 $0x4000, s31;
	s1 =	sadd.s32 s1, s30  }
0xba: {  	s0 =	sor.u32 s3, s0;
	s1 =	sshll.u32 s1, $0x11  }
0xbb: {  	s0 =	sor.u32 s1, s0  }
0xbc: {  	s0 =	sadd.s32 $0x8F2B, s0  }
0xbd: {  	[sflag:s0] =	ssyncadd.remote.s32 $0x1  }
0xbe: {  	_ =	sfence.sel $0xFFFF  }
0xbf: {  	[dreg:$0x0] =	wrdreg $0xFFFFFFFF;
	(pc) =	sbr.abs _section_cstart, $3  }
0xc0: {  	[dreg:$0x1] =	wrdreg $0xFFFFFFFF  }
0xc1: {  	_ =	task.clear_ibuf [dreg:s7], $0x2FFFF;
	_ =	strace $0x9FFFFFFF  }
0xc2: {  	(tm) =	ssettm $0x7FFFFFFF  }
0xc3: {  	_ =	shalt  }
tec
execute0_lowered:
.L_overlay_start_1:
0x0: {  	(tag) =	ssettag $0x1  }
0x1: {  	s5 =	rddreg [dreg:$0x0]  }
0x2: {  	s2 =	rddreg [dreg:$0x1]  }
0x3: {  	s0 =	rddreg [dreg:$0x2];
	s4 =	srdreg.scid  }
0x4: {  	s1 =	stileid.u32;
	s3 =	simm.s32 $0x0;
	s10 =	simm.s32 $0x1000  }
0x5: {  	s11 =	simm.s32 $0x5;
	s12 =	simm.s32 $0x6400;
	s13 =	simm.s32 $0x9600  }
0x6: {  	s14 =	simm.s32 $0xB600;
	s15 =	simm.s32 $0x1;
	s16 =	simm.s32 $0xD600  }
0x7: {  	s17 =	simm.s32 $0x2;
	s18 =	simm.s32 $0xF800;
	s19 =	simm.s32 $0x3  }
0x8: {  	s20 =	simm.s32 $0x4;
	s4 =	sand.u32 $0x1, s4;
	s6 =	sshll.u32 s1, $0x1  }
0x9: {  	s21 =	simm.s32 $0x0;
	[smem:$0x7FF] =	sst s3;
	s7 =	sor.u32 s4, s6  }
0xa: {  	v0 =	vlaneseq.u32;
	_ =	strace $0x8000004A;
	s8 =	ssub.s32 $0x2, s4;
	s4 =	sadd.s32 $0x400, s5  }
0xb: {  	v0 =	vmul.u32 $0x88, v0;
	s6 =	sshll.u32 s7, $0x4;
	s9 =	sshrl.u32 s8, $0x1;
	s7 =	sshll.u32 s7, $0xA  }
0xc: {  	s6 =	sadd.s32 s6, s5;
	s5 =	sadd.s32 $0x7A1800, s5;
	s8 =	ssub.s32 s8, s9  }
0xd: {  	v1 =	vadd.s32 $0x880, v0;
	v2 =	vadd.s32 $0x1100, v0;
	v3 =	vadd.s32 $0x1980, v0;
	s9 =	simm.s32 $0x80;
	s6 =	sadd.s32 $0x7A2000, s6;
	s8 =	smax.u32 s8, $0x1  }
.LBB2_1:
0xe: {  	[tilespmem:s3], [sflag:$0x5] =	stream.strided.gather [hbm4b:s6+s9], $0x6400, s10, s9, $0x38;
	[tilespmem:$0x11A00] =	vst v63  }
0xf: {  	_ =	swait.ge [sflag:s11], $0x6400  }
0x10: {  	[sflag:s11] =	ssyncset.done $0x0  }
0x11: {  	[sflag:s11] =	ssyncadd.s32 $0xFFFF9C00  }
0x12: {  	[tilespmem:s12], [sflag:$0x5] =	stream.linear.gather [hbm4b:s5+s3], $0x3200, $0x38;
	[tilespmem:$0x11A00] =	vst v63  }
0x13: {  	_ =	swait.ge [sflag:s11], $0x3200  }
0x14: {  	[sflag:s11] =	ssyncset.done $0x0  }
0x15: {  	s22 =	simm.s32 $0x0;
	[sflag:s11] =	ssyncadd.s32 $0xFFFFCE00  }
0x16: {  	[tilespmem:s13], [sflag:$0x1] =	stream.indirect.gather [hbm4b:s4+s9], $0x40, s3, s9, $0xb8;
	[tilespmem:$0x11A00] =	vst v63  }
.LBB2_2:
0x17: {  	s23 =	sshllo.u32 s22, $0x1  }
0x18: {  	s24 =	sshll.u32 s23, $0x7  }
0x19: {  	s24 =	sand.u32 $0x3FFFFF80, s24  }
0x1a: {  	[tilespmem:s14], [sflag:$0x2] =	stream.indirect.gather [hbm4b:s4+s9], $0x40, s24, s9, $0xb8;
	[tilespmem:$0x11A00] =	vst v63  }
0x1b: {  	_ =	swait.ge [sflag:s15], $0x2000  }
0x1c: {  	s31 =	sshll.u32 s22, $0x7;
	[sflag:s15] =	ssyncset.done $0x0  }
0x1d: {  	s25 =	sand.u32 $0x3FFFFF80, s31;
	[sflag:s15] =	ssyncadd.s32 $0xFFFFE000  }
0x1e: {  	s26 =	simm.s32 $0x0;
	s24 =	simm.s32 $0x9620;
	v4 =	vld [tilespmem:s25+$0x6400]  }
0x1f: {  	v5 =	vmov s26;
	v7 =	vld [tilespmem:s24+$0xFFFFFFE0]  }
0x20: {  	v8 =	vand.u32 $0x7F, v5  }
0x21: {  	v9 =	vadd.s32 v0, v8;
	_ =	sdelay $0x2  }
0x22: {  	v5 =	vld [tilespmem:s25+$0x6410];
	v10 =	vadd.f32 v7, v4  }
0x23: {  	v6 =	vld [tilespmem:s25+$0x6420]  }
0x24: {  	v7 =	vld [tilespmem:s25+$0x6430];
	[tilespmem:v9+s16+$0x0] =	vst.idx.msk $0xffff, v10  }
0x25: {  	v9 =	vld [tilespmem:s24+$0xFFFFFFF0];
	_ =	sdelay $0x1  }
0x26: {  	v10 =	vadd.s32 v1, v8;
	_ =	sdelay $0x2  }
0x27: {  	v9 =	vadd.f32 v9, v5;
	_ =	sdelay $0x1  }
0x28: {  	[tilespmem:v10+s16+$0x0] =	vst.idx.msk $0xffff, v9  }
0x29: {  	v9 =	vld [tilespmem:s24+$0x0];
	_ =	sdelay $0x1  }
0x2a: {  	v10 =	vadd.s32 v2, v8;
	_ =	sdelay $0x2  }
0x2b: {  	v9 =	vadd.f32 v9, v6;
	_ =	sdelay $0x1  }
0x2c: {  	[tilespmem:v10+s16+$0x0] =	vst.idx.msk $0xffff, v9  }
0x2d: {  	v9 =	vld [tilespmem:s24+$0x10];
	_ =	sdelay $0x1  }
0x2e: {  	v8 =	vadd.s32 v3, v8;
	_ =	sdelay $0x2  }
0x2f: {  	s25 =	simm.s32 $0x1;
	v9 =	vadd.f32 v9, v7  }
.LBB2_3:
0x30: {  	p0 =	sne.s32 s25, $0x7F  }
0x31: {  	s24 =	sadd.s32 $0x40, s24;
	s26 =	smov.u32 s25;
	s25 =	sadd.s32 $0x1, s25;
	[tilespmem:v8+s16+$0x0] =	vst.idx.msk $0xffff, v9  }
0x32: {  	v8 =	vmov s26;
	v9 =	vld [tilespmem:s24+$0xFFFFFFE0]  }
0x33: {  	v8 =	vand.u32 $0x7F, v8  }
0x34: {  	v10 =	vadd.s32 v0, v8;
	_ =	sdelay $0x2  }
0x35: {  	v9 =	vadd.f32 v9, v4;
	_ =	sdelay $0x1  }
0x36: {  	[tilespmem:v10+s16+$0x0] =	vst.idx.msk $0xffff, v9  }
0x37: {  	v9 =	vld [tilespmem:s24+$0xFFFFFFF0];
	_ =	sdelay $0x1  }
0x38: {  	v10 =	vadd.s32 v1, v8;
	_ =	sdelay $0x2  }
0x39: {  	v9 =	vadd.f32 v9, v5;
	_ =	sdelay $0x1  }
0x3a: {  	[tilespmem:v10+s16+$0x0] =	vst.idx.msk $0xffff, v9  }
0x3b: {  	v9 =	vld [tilespmem:s24+$0x0];
	_ =	sdelay $0x1  }
0x3c: {  	v10 =	vadd.s32 v2, v8;
	_ =	sdelay $0x2  }
0x3d: {  	v9 =	vadd.f32 v9, v6;
	_ =	sdelay $0x1  }
0x3e: {  	[tilespmem:v10+s16+$0x0] =	vst.idx.msk $0xffff, v9  }
0x3f: {  	v9 =	vld [tilespmem:s24+$0x10]  }
.Ltmp0:
0x40: {  	(pc) =	sbr.rel @p0 .LBB2_3-.Ltmp0, $2  }
0x41: {  	v8 =	vadd.s32 v3, v8;
	_ =	sdelay $0x2  }
0x42: {  	v9 =	vadd.f32 v9, v7  }
0x43: {  	_ =	sdelay $0x2  }
0x44: {  	p0 =	seq.s32 s22, $0x0  }
0x45: {  	s25 =	sshll.u32 s22, $0x13;
	[tilespmem:v8+s16+$0x0] =	vst.idx.msk $0xffff, v9;
	s24 =	simm.s32 @!p0 $0x4  }
0x46: {  	s25 =	sor.u32 s7, s25;
	_ =	swait.ge @!p0 [sflag:s24], $0x2000  }
0x47: {  	s25 =	sshrl.u32 s25, $0x3;
	[sflag:s24] =	ssyncset.done @!p0 $0x0  }
0x48: {  	s30 =	simm.s32 $0xD600;
	s25 =	sadd.s32 s2, s25;
	[sflag:s24] =	ssyncadd.s32 @!p0 $0xFFFFE000  }
0x49: {  	[hbm4b:s25+s3] =	stream.linear.scatter [tilespmem:s30], [sflag:$0x3], $0x80, $0x38;
	[tilespmem:$0x11A00] =	vst v63  }
0x4a: {  	s31 =	simm.s32 $0xD688;
	s26 =	sadd.s32 $0x10, s25  }
0x4b: {  	[hbm4b:s26+s3] =	stream.linear.scatter [tilespmem:s31], [sflag:$0x3], $0x80, $0x38;
	[tilespmem:$0x11A00] =	vst v63  }
0x4c: {  	s28 =	simm.s32 $0xD9B8;
	s30 =	simm.s32 $0xD710;
	s31 =	sadd.s32 $0x20, s25  }
0x4d: {  	[hbm4b:s31+s3] =	stream.linear.scatter [tilespmem:s30], [sflag:$0x3], $0x80, $0x38;
	[tilespmem:$0x11A00] =	vst v63  }
0x4e: {  	s24 =	simm.s32 $0x440;
	s30 =	simm.s32 $0xD798;
	s31 =	sadd.s32 $0x30, s25  }
0x4f: {  	[hbm4b:s31+s3] =	stream.linear.scatter [tilespmem:s30], [sflag:$0x3], $0x80, $0x38;
	[tilespmem:$0x11A00] =	vst v63  }
0x50: {  	s29 =	sadd.s32 $0x70, s25;
	s30 =	simm.s32 $0xD820;
	s31 =	sadd.s32 $0x40, s25  }
0x51: {  	[hbm4b:s31+s3] =	stream.linear.scatter [tilespmem:s30], [sflag:$0x3], $0x80, $0x38;
	[tilespmem:$0x11A00] =	vst v63  }
0x52: {  	s26 =	simm.s32 $0x2200;
	s30 =	simm.s32 $0xD8A8;
	s31 =	sadd.s32 $0x50, s25  }
0x53: {  	[hbm4b:s31+s3] =	stream.linear.scatter [tilespmem:s30], [sflag:$0x3], $0x80, $0x38;
	[tilespmem:$0x11A00] =	vst v63  }
0x54: {  	s30 =	simm.s32 $0xD930;
	s31 =	sadd.s32 $0x60, s25;
	s25 =	sadd.s32 $0x1000, s25  }
0x55: {  	[hbm4b:s31+s3] =	stream.linear.scatter [tilespmem:s30], [sflag:$0x3], $0x80, $0x38;
	[tilespmem:$0x11A00] =	vst v63  }
.LBB2_5:
0x56: {  	[hbm4b:s29+s3] =	stream.linear.scatter [tilespmem:s28], [sflag:$0x3], $0x80, $0x38;
	[tilespmem:$0x11A00] =	vst v63  }
0x57: {  	s28 =	smov.u32 s24;
	s24 =	smov.u32 s26  }
0x58: {  	s30 =	sadd.s32 $0x1100, s26;
	s24 =	sshra.s32 s24, $0x2;
	s29 =	sadd.s32 $0xD600, s28  }
0x59: {  	[hbm4b:s25+s3] =	stream.linear.scatter [tilespmem:s29], [sflag:$0x3], $0x80, $0x38;
	[tilespmem:$0x11A00] =	vst v63  }
0x5a: {  	p0 =	sne.s32 s26, $0x7700;
	s26 =	sadd.s32 $0xD688, s28;
	s29 =	sadd.s32 $0x10, s25  }
0x5b: {  	[hbm4b:s29+s3] =	stream.linear.scatter [tilespmem:s26], [sflag:$0x3], $0x80, $0x38;
	[tilespmem:$0x11A00] =	vst v63  }
0x5c: {  	s26 =	sadd.s32 $0xD710, s28;
	s29 =	sadd.s32 $0x20, s25  }
0x5d: {  	[hbm4b:s29+s3] =	stream.linear.scatter [tilespmem:s26], [sflag:$0x3], $0x80, $0x38;
	[tilespmem:$0x11A00] =	vst v63  }
0x5e: {  	s26 =	sadd.s32 $0xD798, s28;
	s29 =	sadd.s32 $0x30, s25  }
0x5f: {  	[hbm4b:s29+s3] =	stream.linear.scatter [tilespmem:s26], [sflag:$0x3], $0x80, $0x38;
	[tilespmem:$0x11A00] =	vst v63  }
0x60: {  	s26 =	sadd.s32 $0xD820, s28;
	s29 =	sadd.s32 $0x40, s25  }
0x61: {  	[hbm4b:s29+s3] =	stream.linear.scatter [tilespmem:s26], [sflag:$0x3], $0x80, $0x38;
	[tilespmem:$0x11A00] =	vst v63  }
.Ltmp1:
0x62: {  	s26 =	sadd.s32 $0xD8A8, s28;
	s29 =	sadd.s32 $0x50, s25;
	(pc) =	sbr.rel @p0 .LBB2_5-.Ltmp1, $4  }
0x63: {  	[hbm4b:s29+s3] =	stream.linear.scatter [tilespmem:s26], [sflag:$0x3], $0x80, $0x38;
	[tilespmem:$0x11A00] =	vst v63  }
0x64: {  	s26 =	sadd.s32 $0xD930, s28;
	s29 =	sadd.s32 $0x60, s25;
	s28 =	sadd.s32 $0xD9B8, s28  }
0x65: {  	[hbm4b:s29+s3] =	stream.linear.scatter [tilespmem:s26], [sflag:$0x3], $0x80, $0x38;
	[tilespmem:$0x11A00] =	vst v63  }
0x66: {  	s29 =	sadd.s32 $0x70, s25;
	s25 =	sadd.s32 $0x1000, s25;
	s26 =	smov.u32 s30  }
0x67: {  	[hbm4b:s29+s3] =	stream.linear.scatter [tilespmem:s28], [sflag:$0x3], $0x80, $0x38;
	[tilespmem:$0x11A00] =	vst v63  }
0x68: {  	s26 =	sadd.s32 $0xD600, s24  }
0x69: {  	[hbm4b:s25+s3] =	stream.linear.scatter [tilespmem:s26], [sflag:$0x3], $0x80, $0x38;
	[tilespmem:$0x11A00] =	vst v63  }
0x6a: {  	s29 =	sadd.s32 $0xD688, s24;
	s30 =	sadd.s32 $0x10, s25  }
0x6b: {  	[hbm4b:s30+s3] =	stream.linear.scatter [tilespmem:s29], [sflag:$0x3], $0x80, $0x38;
	[tilespmem:$0x11A00] =	vst v63  }
0x6c: {  	s31 =	sadd.s32 $0xD710, s24;
	s29 =	sadd.s32 $0x20, s25  }
0x6d: {  	[hbm4b:s29+s3] =	stream.linear.scatter [tilespmem:s31], [sflag:$0x3], $0x80, $0x38;
	[tilespmem:$0x11A00] =	vst v63  }
0x6e: {  	s30 =	sadd.s32 $0xD798, s24;
	s31 =	sadd.s32 $0x30, s25  }
0x6f: {  	[hbm4b:s31+s3] =	stream.linear.scatter [tilespmem:s30], [sflag:$0x3], $0x80, $0x38;
	[tilespmem:$0x11A00] =	vst v63  }
0x70: {  	p0 =	seq.s32 s22, $0x63;
	s29 =	sadd.s32 $0xD820, s24;
	s30 =	sadd.s32 $0x40, s25  }
0x71: {  	[hbm4b:s30+s3] =	stream.linear.scatter [tilespmem:s29], [sflag:$0x3], $0x80, $0x38;
	[tilespmem:$0x11A00] =	vst v63  }
0x72: {  	s26 =	sadd.s32 $0xD9B8, s24;
	s31 =	sadd.s32 $0xD8A8, s24;
	s29 =	sadd.s32 $0x50, s25  }
0x73: {  	[hbm4b:s29+s3] =	stream.linear.scatter [tilespmem:s31], [sflag:$0x3], $0x80, $0x38;
	[tilespmem:$0x11A00] =	vst v63  }
0x74: {  	s30 =	sadd.s32 $0xD930, s24;
	s24 =	sshll.u32 @!p0 s22, $0x8;
	s31 =	sadd.s32 $0x60, s25  }
0x75: {  	[hbm4b:s31+s3] =	stream.linear.scatter [tilespmem:s30], [sflag:$0x3], $0x80, $0x38;
	[tilespmem:$0x11A00] =	vst v63  }
0x76: {  	s28 =	sadd.s32 $0x70, s25;
	s24 =	sand.u32 @!p0 $0x3FFFFF00, s24  }
0x77: {  	[hbm4b:s28+s3] =	stream.linear.scatter [tilespmem:s26], [sflag:$0x3], $0x80, $0x38;
	[tilespmem:$0x11A00] =	vst v63  }
0x78: {  	s24 =	sadd.s32 @!p0 $0x100, s24;
	s25 =	simm.s32 @!p0 $0x80;
	s26 =	simm.s32 @!p0 $0x9600  }
0x79: {  	[tilespmem:s26], [sflag:$0x1] =	stream.indirect.gather @!p0 [hbm4b:s4+s25], $0x40, s24, s25, $0xb8;
	[tilespmem:$0x11A00] =	vst v63  }
0x7a: {  	_ =	swait.ge [sflag:s17], $0x2000  }
0x7b: {  	s29 =	sshll.u32 s23, $0x6;
	[sflag:s17] =	ssyncset.done $0x0  }
0x7c: {  	s30 =	sand.u32 $0x3FFFFFC0, s29;
	[sflag:s17] =	ssyncadd.s32 $0xFFFFE000  }
0x7d: {  	s31 =	simm.s32 $0x0;
	s24 =	simm.s32 $0xB620;
	v4 =	vld [tilespmem:s30+$0x6400]  }
0x7e: {  	v5 =	vmov s31;
	v7 =	vld [tilespmem:s24+$0xFFFFFFE0]  }
0x7f: {  	v8 =	vand.u32 $0x7F, v5  }
0x80: {  	v9 =	vadd.s32 v0, v8;
	_ =	sdelay $0x2  }
0x81: {  	v5 =	vld [tilespmem:s30+$0x6410];
	v10 =	vadd.f32 v7, v4  }
0x82: {  	v6 =	vld [tilespmem:s30+$0x6420]  }
0x83: {  	v7 =	vld [tilespmem:s30+$0x6430];
	[tilespmem:v9+s18+$0x0] =	vst.idx.msk $0xffff, v10  }
0x84: {  	v9 =	vld [tilespmem:s24+$0xFFFFFFF0];
	_ =	sdelay $0x1  }
0x85: {  	v10 =	vadd.s32 v1, v8;
	_ =	sdelay $0x2  }
0x86: {  	v9 =	vadd.f32 v9, v5;
	_ =	sdelay $0x1  }
0x87: {  	[tilespmem:v10+s18+$0x0] =	vst.idx.msk $0xffff, v9  }
0x88: {  	v9 =	vld [tilespmem:s24+$0x0];
	_ =	sdelay $0x1  }
0x89: {  	v10 =	vadd.s32 v2, v8;
	_ =	sdelay $0x2  }
0x8a: {  	v9 =	vadd.f32 v9, v6;
	_ =	sdelay $0x1  }
0x8b: {  	[tilespmem:v10+s18+$0x0] =	vst.idx.msk $0xffff, v9  }
0x8c: {  	v9 =	vld [tilespmem:s24+$0x10];
	_ =	sdelay $0x1  }
0x8d: {  	v8 =	vadd.s32 v3, v8;
	_ =	sdelay $0x2  }
0x8e: {  	s25 =	simm.s32 $0x1;
	v9 =	vadd.f32 v9, v7  }
.LBB2_7:
0x8f: {  	p0 =	sne.s32 s25, $0x7F  }
0x90: {  	s24 =	sadd.s32 $0x40, s24;
	s26 =	smov.u32 s25;
	s25 =	sadd.s32 $0x1, s25;
	[tilespmem:v8+s18+$0x0] =	vst.idx.msk $0xffff, v9  }
0x91: {  	v8 =	vmov s26;
	v9 =	vld [tilespmem:s24+$0xFFFFFFE0]  }
0x92: {  	v8 =	vand.u32 $0x7F, v8  }
0x93: {  	v10 =	vadd.s32 v0, v8;
	_ =	sdelay $0x2  }
0x94: {  	v9 =	vadd.f32 v9, v4;
	_ =	sdelay $0x1  }
0x95: {  	[tilespmem:v10+s18+$0x0] =	vst.idx.msk $0xffff, v9  }
0x96: {  	v9 =	vld [tilespmem:s24+$0xFFFFFFF0];
	_ =	sdelay $0x1  }
0x97: {  	v10 =	vadd.s32 v1, v8;
	_ =	sdelay $0x2  }
0x98: {  	v9 =	vadd.f32 v9, v5;
	_ =	sdelay $0x1  }
0x99: {  	[tilespmem:v10+s18+$0x0] =	vst.idx.msk $0xffff, v9  }
0x9a: {  	v9 =	vld [tilespmem:s24+$0x0];
	_ =	sdelay $0x1  }
0x9b: {  	v10 =	vadd.s32 v2, v8;
	_ =	sdelay $0x2  }
0x9c: {  	v9 =	vadd.f32 v9, v6;
	_ =	sdelay $0x1  }
0x9d: {  	[tilespmem:v10+s18+$0x0] =	vst.idx.msk $0xffff, v9  }
0x9e: {  	v9 =	vld [tilespmem:s24+$0x10]  }
.Ltmp2:
0x9f: {  	(pc) =	sbr.rel @p0 .LBB2_7-.Ltmp2, $2  }
0xa0: {  	v8 =	vadd.s32 v3, v8;
	_ =	sdelay $0x2  }
0xa1: {  	v9 =	vadd.f32 v9, v7  }
0xa2: {  	_ =	sdelay $0x3  }
0xa3: {  	s23 =	sshll.u32 s23, $0x12;
	[tilespmem:v8+s18+$0x0] =	vst.idx.msk $0xffff, v9  }
0xa4: {  	s23 =	sor.u32 s7, s23;
	_ =	swait.ge [sflag:s19], $0x2000  }
0xa5: {  	s23 =	sshrl.u32 s23, $0x3;
	[sflag:s19] =	ssyncset.done $0x0  }
0xa6: {  	s26 =	simm.s32 $0xF800;
	s24 =	sadd.s32 s2, s23;
	[sflag:s19] =	ssyncadd.s32 $0xFFFFE000  }
0xa7: {  	[hbm4b:s24+s3] =	stream.linear.scatter [tilespmem:s26], [sflag:$0x4], $0x80, $0x38;
	[tilespmem:$0x11A00] =	vst v63  }
0xa8: {  	s29 =	simm.s32 $0xF888;
	s25 =	sadd.s32 $0x10, s24  }
0xa9: {  	[hbm4b:s25+s3] =	stream.linear.scatter [tilespmem:s29], [sflag:$0x4], $0x80, $0x38;
	[tilespmem:$0x11A00] =	vst v63  }
0xaa: {  	s30 =	simm.s32 $0xF910;
	s23 =	simm.s32 $0x440;
	s31 =	sadd.s32 $0x20, s24  }
0xab: {  	[hbm4b:s31+s3] =	stream.linear.scatter [tilespmem:s30], [sflag:$0x4], $0x80, $0x38;
	[tilespmem:$0x11A00] =	vst v63  }
0xac: {  	s28 =	sadd.s32 $0x70, s24;
	s26 =	simm.s32 $0xF998;
	s29 =	sadd.s32 $0x30, s24  }
0xad: {  	[hbm4b:s29+s3] =	stream.linear.scatter [tilespmem:s26], [sflag:$0x4], $0x80, $0x38;
	[tilespmem:$0x11A00] =	vst v63  }
0xae: {  	s25 =	simm.s32 $0x2200;
	s30 =	simm.s32 $0xFA20;
	s31 =	sadd.s32 $0x40, s24  }
0xaf: {  	[hbm4b:s31+s3] =	stream.linear.scatter [tilespmem:s30], [sflag:$0x4], $0x80, $0x38;
	[tilespmem:$0x11A00] =	vst v63  }
0xb0: {  	s26 =	simm.s32 $0xFAA8;
	s29 =	sadd.s32 $0x50, s24;
	s30 =	simm.s32 $0xFB30  }
0xb1: {  	[hbm4b:s29+s3] =	stream.linear.scatter [tilespmem:s26], [sflag:$0x4], $0x80, $0x38;
	[tilespmem:$0x11A00] =	vst v63  }
0xb2: {  	s31 =	sadd.s32 $0x60, s24;
	s24 =	sadd.s32 $0x1000, s24;
	s26 =	simm.s32 $0xFBB8  }
0xb3: {  	[hbm4b:s31+s3] =	stream.linear.scatter [tilespmem:s30], [sflag:$0x4], $0x80, $0x38;
	[tilespmem:$0x11A00] =	vst v63  }
.LBB2_9:
0xb4: {  	[hbm4b:s28+s3] =	stream.linear.scatter [tilespmem:s26], [sflag:$0x4], $0x80, $0x38;
	[tilespmem:$0x11A00] =	vst v63  }
0xb5: {  	s26 =	smov.u32 s23;
	s23 =	smov.u32 s25  }
0xb6: {  	s29 =	sadd.s32 $0x1100, s25;
	s23 =	sshra.s32 s23, $0x2;
	s28 =	sadd.s32 $0xF800, s26  }
0xb7: {  	[hbm4b:s24+s3] =	stream.linear.scatter [tilespmem:s28], [sflag:$0x4], $0x80, $0x38;
	[tilespmem:$0x11A00] =	vst v63  }
0xb8: {  	p0 =	sne.s32 s25, $0x7700;
	s25 =	sadd.s32 $0xF888, s26;
	s28 =	sadd.s32 $0x10, s24  }
0xb9: {  	[hbm4b:s28+s3] =	stream.linear.scatter [tilespmem:s25], [sflag:$0x4], $0x80, $0x38;
	[tilespmem:$0x11A00] =	vst v63  }
0xba: {  	s25 =	sadd.s32 $0xF910, s26;
	s28 =	sadd.s32 $0x20, s24  }
0xbb: {  	[hbm4b:s28+s3] =	stream.linear.scatter [tilespmem:s25], [sflag:$0x4], $0x80, $0x38;
	[tilespmem:$0x11A00] =	vst v63  }
0xbc: {  	s25 =	sadd.s32 $0xF998, s26;
	s28 =	sadd.s32 $0x30, s24  }
0xbd: {  	[hbm4b:s28+s3] =	stream.linear.scatter [tilespmem:s25], [sflag:$0x4], $0x80, $0x38;
	[tilespmem:$0x11A00] =	vst v63  }
0xbe: {  	s25 =	sadd.s32 $0xFA20, s26;
	s28 =	sadd.s32 $0x40, s24  }
0xbf: {  	[hbm4b:s28+s3] =	stream.linear.scatter [tilespmem:s25], [sflag:$0x4], $0x80, $0x38;
	[tilespmem:$0x11A00] =	vst v63  }
.Ltmp3:
0xc0: {  	s25 =	sadd.s32 $0xFAA8, s26;
	s28 =	sadd.s32 $0x50, s24;
	(pc) =	sbr.rel @p0 .LBB2_9-.Ltmp3, $4  }
0xc1: {  	[hbm4b:s28+s3] =	stream.linear.scatter [tilespmem:s25], [sflag:$0x4], $0x80, $0x38;
	[tilespmem:$0x11A00] =	vst v63  }
0xc2: {  	s25 =	sadd.s32 $0xFB30, s26;
	s28 =	sadd.s32 $0x60, s24;
	s26 =	sadd.s32 $0xFBB8, s26  }
0xc3: {  	[hbm4b:s28+s3] =	stream.linear.scatter [tilespmem:s25], [sflag:$0x4], $0x80, $0x38;
	[tilespmem:$0x11A00] =	vst v63  }
0xc4: {  	s28 =	sadd.s32 $0x70, s24;
	s24 =	sadd.s32 $0x1000, s24;
	s25 =	smov.u32 s29  }
0xc5: {  	[hbm4b:s28+s3] =	stream.linear.scatter [tilespmem:s26], [sflag:$0x4], $0x80, $0x38;
	[tilespmem:$0x11A00] =	vst v63  }
0xc6: {  	s25 =	sadd.s32 $0xF800, s23  }
0xc7: {  	[hbm4b:s24+s3] =	stream.linear.scatter [tilespmem:s25], [sflag:$0x4], $0x80, $0x38;
	[tilespmem:$0x11A00] =	vst v63  }
0xc8: {  	s30 =	sadd.s32 $0xF888, s23;
	s31 =	sadd.s32 $0x10, s24  }
0xc9: {  	[hbm4b:s31+s3] =	stream.linear.scatter [tilespmem:s30], [sflag:$0x4], $0x80, $0x38;
	[tilespmem:$0x11A00] =	vst v63  }
0xca: {  	s28 =	sadd.s32 $0xF910, s23;
	s29 =	sadd.s32 $0x20, s24  }
0xcb: {  	[hbm4b:s29+s3] =	stream.linear.scatter [tilespmem:s28], [sflag:$0x4], $0x80, $0x38;
	[tilespmem:$0x11A00] =	vst v63  }
0xcc: {  	s30 =	sadd.s32 $0xF998, s23;
	s31 =	sadd.s32 $0x30, s24  }
0xcd: {  	[hbm4b:s31+s3] =	stream.linear.scatter [tilespmem:s30], [sflag:$0x4], $0x80, $0x38;
	[tilespmem:$0x11A00] =	vst v63  }
0xce: {  	s22 =	sadd.s32 $0x1, s22;
	s28 =	sadd.s32 $0xFA20, s23;
	s29 =	sadd.s32 $0x40, s24  }
0xcf: {  	[hbm4b:s29+s3] =	stream.linear.scatter [tilespmem:s28], [sflag:$0x4], $0x80, $0x38;
	[tilespmem:$0x11A00] =	vst v63  }
0xd0: {  	p0 =	sne.s32 s22, $0x64;
	s30 =	sadd.s32 $0xFAA8, s23;
	s31 =	sadd.s32 $0x50, s24  }
0xd1: {  	[hbm4b:s31+s3] =	stream.linear.scatter [tilespmem:s30], [sflag:$0x4], $0x80, $0x38;
	[tilespmem:$0x11A00] =	vst v63  }
.Ltmp4:
0xd2: {  	_ = 	snop;
	(pc) =	sbr.rel @p0 .LBB2_2-.Ltmp4, $4  }
0xd3: {  	s28 =	sadd.s32 $0xFB30, s23;
	s29 =	sadd.s32 $0x60, s24  }
0xd4: {  	[hbm4b:s29+s3] =	stream.linear.scatter [tilespmem:s28], [sflag:$0x4], $0x80, $0x38;
	[tilespmem:$0x11A00] =	vst v63  }
0xd5: {  	s30 =	sadd.s32 $0xFBB8, s23;
	s31 =	sadd.s32 $0x70, s24  }
0xd6: {  	[hbm4b:s31+s3] =	stream.linear.scatter [tilespmem:s30], [sflag:$0x4], $0x80, $0x38;
	[tilespmem:$0x11A00] =	vst v63  }
0xd7: {  	s21 =	sadd.s32 $0x1, s21  }
0xd8: {  	p0 =	sne.s32 s21, s8  }
.Ltmp5:
0xd9: {  	_ = 	snop;
	(pc) =	sbr.rel @p0 .LBB2_1-.Ltmp5, $4  }
0xda: {  	_ = 	snop  }
0xdb: {  	_ =	swait.ge [sflag:s20], $0x2000  }
0xdc: {  	[sflag:s20] =	ssyncset.done $0x0  }
0xdd: {  	[sflag:s20] =	ssyncadd.s32 $0xFFFFE000  }
0xde: {  	_ =	sfence.sel $0x180000  }
0xdf: {  	[bflag:$0x0] =	sbarrier.arrive $0xFFFF  }
0xe0: {  	p0 =	sne.s32 s1, $0x0;
	_ =	strace $0x9000004A  }
0xe1: {  	s0 =	sadd.s32 @!p0 $0x100000, s0;
	[bflag:$0x2] =	sbarrier.arrive $0xFFFF  }
0xe2: {  	[sflag:s0] =	ssyncadd.tile.s32 @!p0 $0x1;
	_ =	shalt  }
.Lfunc_end2:
_tile_overlayer_lowered:
.L_overlay_start_2:
0xe3: {  	(tag) =	ssettag $0x2  }
0xe4: {  	s0 =	rddreg [dreg:$0x0];
	s2 =	stileid.u32  }
0xe5: {  	s1 =	rddreg [dreg:$0x1];
	p0 =	sne.s32 s2, $0x0  }
0xe6: {  	s3 =	rddreg [dreg:$0x2];
	[bflag:$0x3] =	sbarrier.arrive $0xFFFF;
	s2 =	simm.s32 @!p0 $0x1C05  }
0xe7: {  	[timem:s3], [sflag:s2] =	dma.local @!p0 [hbm:s0], s1  }
0xe8: {  	s0 =	simm.s32 @!p0 $0x5  }
0xe9: {  	_ =	swait.ge @!p0 [sflag:s0], s1  }
0xea: {  	s1 =	ssub.s32 @!p0 $0x0, s1;
	[sflag:s0] =	ssyncset.done @!p0 $0x0  }
0xeb: {  	[sflag:s0] =	ssyncadd.s32 @!p0 s1  }
0xec: {  	[bflag:$0x3] =	sbarrier.arrive $0xFFFF  }
0xed: {  	_ =	shalt  }

</sc_bundles>
